<compile_context>
chip_gen: v7x
topology: tpu7x:2x2x1
jax: 0.10.2.dev20260603
libtpu: 0.0.44.dev20260713+nightly
codegen_flags: <defaults>
</compile_context>

<pallas_src>
import functools

import jax
import jax.numpy as jnp
from jax import lax
from jax.experimental import pallas as pl
from jax.experimental.pallas import tpu as pltpu
from jax.experimental.pallas import tpu_sc as plsc

VSIZE = 1000000
ESIZE = 16
PK = 2 * ESIZE
SENTLEN = 50
RAD = 5
NSAMPL = 5
BATCH = 4096

NHALF = 2
BATCH_H = BATCH // NHALF

NC, NS = 2, 16
NW = NC * NS
CHUNK = 128
NCHUNK = 64
WINDOW = 16

ROWS_W = BATCH_H * SENTLEN // NW
NCH = ROWS_W // CHUNK
NROWS_NEG_W = BATCH_H * NSAMPL // NW
NCH_NEG = NROWS_NEG_W // NCHUNK


def _sc_gather_body(tab_hbm, sent_hbm, negw_hbm, cc_out, neg_out,
                    idx_v, nidx_v, rows_v, sem):
    wid = lax.axis_index("s") * NC + lax.axis_index("c")
    pltpu.sync_copy(sent_hbm.at[wid], idx_v)
    pltpu.sync_copy(negw_hbm.at[wid], nidx_v)

    def gather_to(out_hbm, idx_ref, nch, chunk):
        def body(j, carry):
            pltpu.async_copy(tab_hbm.at[idx_ref.at[j]],
                             rows_v.at[pl.ds(j * chunk, chunk)], sem)

            @pl.when(j >= WINDOW)
            def _():
                pltpu.make_async_copy(tab_hbm.at[pl.ds(0, chunk)],
                                      rows_v.at[pl.ds(0, chunk)], sem).wait()

            return carry

        lax.fori_loop(0, nch, body, 0)
        tail = min(nch, WINDOW) * chunk
        pltpu.make_async_copy(tab_hbm.at[pl.ds(0, tail)],
                              rows_v.at[pl.ds(0, tail)], sem).wait()
        pltpu.sync_copy(rows_v.at[pl.ds(0, nch * chunk)], out_hbm.at[wid])

    gather_to(cc_out, idx_v, NCH, CHUNK)
    gather_to(neg_out, nidx_v, NCH_NEG, NCHUNK)


@functools.cache
def _make_sc_gather():
    return pl.kernel(
        _sc_gather_body,
        out_type=[
            jax.ShapeDtypeStruct((NW, ROWS_W, PK), jnp.bfloat16),
            jax.ShapeDtypeStruct((NW, NROWS_NEG_W, PK), jnp.bfloat16),
        ],
        mesh=plsc.VectorSubcoreMesh(core_axis_name="c", subcore_axis_name="s",
                                    num_cores=NC, num_subcores=NS),
        scratch_types=[
            pltpu.VMEM((NCH, CHUNK), jnp.int32),
            pltpu.VMEM((NCH_NEG, NCHUNK), jnp.int32),
            pltpu.VMEM((ROWS_W, PK), jnp.bfloat16),
            pltpu.SemaphoreType.DMA,
        ],
        compiler_params=pltpu.CompilerParams(use_tc_tiling_on_sc=False),
    )


BB = 512
LP = SENTLEN * PK
NP = NSAMPL * PK


def _softplus(x):
    return jnp.log1p(jnp.exp(-jnp.abs(x))) + jnp.maximum(x, 0.0)


def _tc_loss_body(cc_ref, neg_ref, out_ref):
    i = pl.program_id(0)
    x = cc_ref[...].astype(jnp.float32)
    y = neg_ref[...].astype(jnp.float32)
    ki = lax.broadcasted_iota(jnp.int32, (LP, SENTLEN), 0)
    ji = lax.broadcasted_iota(jnp.int32, (LP, SENTLEN), 1)
    Scen = ((ki // PK == ji) & (ki % PK < ESIZE)).astype(jnp.float32)
    Scon = ((ki // PK == ji) & (ki % PK >= ESIZE)).astype(jnp.float32)
    pos = jnp.zeros((), jnp.float32)
    for d in range(1, RAD + 1):
        w1 = LP - PK * d - ESIZE
        p1 = x[:, :w1] * x[:, PK * d + ESIZE:]
        s1 = jnp.dot(p1, Scen[:w1, :SENTLEN - d],
                     preferred_element_type=jnp.float32)
        w2 = LP - PK * d + ESIZE
        p2 = x[:, :w2] * x[:, PK * d - ESIZE:]
        s2 = jnp.dot(p2, Scon[:w2, :SENTLEN - d],
                     preferred_element_type=jnp.float32)
        pos += jnp.sum(_softplus(-s1)) + jnp.sum(_softplus(-s2))
    negsum = jnp.zeros((), jnp.float32)
    kn = lax.broadcasted_iota(jnp.int32, (NP, LP), 0)
    mn = lax.broadcasted_iota(jnp.int32, (NP, LP), 1)
    for n in range(NSAMPL):
        Tn = ((kn == PK * n + ESIZE + mn % PK) & (mn % PK < ESIZE)
              ).astype(jnp.float32)
        nb = jnp.dot(y, Tn, preferred_element_type=jnp.float32)
        s = jnp.dot(x * nb, Scen, preferred_element_type=jnp.float32)
        negsum += jnp.sum(_softplus(s))
    val = (pos / (BATCH * SENTLEN * SENTLEN)
           + negsum / (BATCH * SENTLEN * NSAMPL))

    @pl.when(i == 0)
    def _():
        out_ref[...] = jnp.zeros((1, 1), jnp.float32)

    out_ref[...] = out_ref[...] + val


_tc_loss = pl.pallas_call(
    _tc_loss_body,
    grid=(BATCH_H // BB,),
    in_specs=[
        pl.BlockSpec((BB, LP), lambda i: (i, 0)),
        pl.BlockSpec((BB, NP), lambda i: (i, 0)),
    ],
    out_specs=pl.BlockSpec((1, 1), lambda i: (0, 0)),
    out_shape=jax.ShapeDtypeStruct((1, 1), jnp.float32),
)


def kernel(sent, cenb_w, cemb_w, negwords):
    tab = jnp.concatenate([cenb_w.astype(jnp.bfloat16),
                           cemb_w.astype(jnp.bfloat16)], axis=1)
    sent_r = sent.astype(jnp.int32).reshape(NHALF, NW, NCH, CHUNK)
    negw_r = negwords.astype(jnp.int32).reshape(NHALF, NW, NCH_NEG, NCHUNK)
    sc = _make_sc_gather()
    total = jnp.zeros((), jnp.float32)
    for h in range(NHALF):
        cc_g, neg_g = sc(tab, sent_r[h], negw_r[h])
        cc = cc_g.reshape(BATCH_H, LP)
        neg = neg_g.reshape(BATCH_H, NP)
        total = total + _tc_loss(cc, neg)[0, 0]
    return total

# --- scband reference (transcript-rebuilt; emitter-appended) ---
"""Pipeline reference for scband-skip-gram-39152921870800 (READ-ONLY COPY).

The authoritative reference and input builder live on the scoring server;
editing this copy changes nothing except your own understanding.
"""

import jax, jax.numpy as jnp
import numpy as np

VSIZE = 1000000
ESIZE = 16
SENTLEN = 50
RAD = 5
NSAMPL = 5
BATCH = 4096


def makediagmask(size, rad):
    idxs = jnp.arange(size)
    idxdif = jnp.abs(idxs[None, :] - idxs[:, None])
    return ((idxdif <= rad) & (idxdif > 0)).astype(jnp.float32)


def setup_inputs(seed: int = 0):
    key = jax.random.key(seed)
    k1, k2, k3, k4 = jax.random.split(key, 4)
    sent = jax.random.randint(k1, (BATCH, SENTLEN), 0, VSIZE)
    k = 1.0 / ESIZE
    cenb_w = jax.random.uniform(k2, (VSIZE, ESIZE), minval=-k, maxval=k, dtype=jnp.float32)
    cenb_w = cenb_w.at[0].set(0.0)
    cemb_w = jax.random.uniform(k3, (VSIZE, ESIZE), minval=-k, maxval=k, dtype=jnp.float32)
    cemb_w = cemb_w.at[0].set(0.0)
    # torch forward draws negatives internally with torch.randint; we draw
    # them deterministically here so the reference is reproducible.
    negwords = jax.random.randint(k4, (BATCH, NSAMPL), 1, VSIZE)
    return {"sent": sent, "cenb_w": cenb_w, "cemb_w": cemb_w, "negwords": negwords}


def reference(sent, cenb_w, cemb_w, negwords):
    # center and context embeddings: gather from the big tables
    cen = jnp.take(cenb_w, sent, axis=0)          # [B, L, E]
    con = jnp.take(cemb_w, sent, axis=0)          # [B, L, E]
    # bmm(cen, con^T) -> pairwise similarities within the sentence
    possims = jnp.einsum('ble,bme->blm', cen, con)  # [B, L, L]
    posprobs = jax.nn.sigmoid(possims)
    pmask = makediagmask(SENTLEN, RAD)              # [L, L]
    mull = posprobs * pmask
    target = jnp.broadcast_to(pmask, mull.shape)
    # F.binary_cross_entropy(mull, target) with mean reduction
    p = jnp.clip(mull, 1e-12, 1.0 - 1e-12)
    posloss = jnp.mean(-(target * jnp.log(p) + (1.0 - target) * jnp.log1p(-p)))
    # negative samples
    negcon = jnp.take(cemb_w, negwords, axis=0)     # [B, n, E]
    negsims = jnp.einsum('ble,bne->bln', cen, negcon)  # [B, L, n]
    # BCE-with-logits against all-zero targets == mean softplus(logits)
    negloss = jnp.mean(jax.nn.softplus(negsims))
    return negloss + posloss

if __name__ == "__main__":
    import jax
    _d = setup_inputs()
    print(jax.jit(kernel)(*tuple(_d.values())))

</pallas_src>

<mosaic_0001>
#map = affine_map<(d0, d1) -> (0, 0)>
#map1 = affine_map<(d0, d1) -> (0, 0, 0)>
module attributes {stable_mosaic.version = 14 : i64} {
  func.func @_sc_gather_body(%arg0: i32, %arg1: i32, %arg2: memref<1000000x32xbf16, #tpu.memory_space<hbm>>, %arg3: memref<32x25x128xi32, #tpu.memory_space<hbm>>, %arg4: memref<32x5x64xi32, #tpu.memory_space<hbm>>, %arg5: memref<32x3200x32xbf16, #tpu.memory_space<hbm>>, %arg6: memref<32x320x32xbf16, #tpu.memory_space<hbm>>, %arg7: memref<25x128xi32, #tpu.memory_space<vmem>>, %arg8: memref<5x64xi32, #tpu.memory_space<vmem>>, %arg9: memref<3200x32xbf16, #tpu.memory_space<vmem>>, %arg10: memref<!tpu.dma_semaphore, #tpu.memory_space<semaphore_mem>>) attributes {dimension_semantics = [#tpu.dimension_semantics<core_parallel>, #tpu.dimension_semantics<subcore_parallel>], iteration_bounds = array<i64: 2, 16>, scalar_prefetch = 0 : i64, scratch_operands = 4 : i64, tpu.core_type = #tpu.core_type<sc_vector_subcore>, window_params = [{transform_indices = #map}, {transform_indices = #map1}, {transform_indices = #map1}, {transform_indices = #map1}, {transform_indices = #map1}]} {
    %mul3A = arith.constant 2 : i32
    %mul3A_0 = arith.muli %arg1, %mul3A : i32
    %add3A = arith.addi %mul3A_0, %arg0 : i32
    "tpu.region"() ({
      %run_scoped3A = tpu.sem_alloc : memref<!tpu.dma_semaphore, #tpu.memory_space<semaphore_mem>>
      %dma_start3A = arith.constant 0 : i32
      %dma_start3A_35 = arith.constant 0 : i32
      %dma_start3A_36 = tpu.memref_slice %arg3[%add3A, %dma_start3A, %dma_start3A_35] : memref<32x25x128xi32, #tpu.memory_space<hbm>> -> memref<1x25x128xi32, #tpu.memory_space<hbm>>
      %dma_start3A_37 = tpu.memref_squeeze %dma_start3A_36 : memref<1x25x128xi32, #tpu.memory_space<hbm>> -> memref<25x128xi32, #tpu.memory_space<hbm>>
      %dma_start3A_38 = arith.constant 0 : i32
      %dma_start3A_39 = arith.constant 0 : i32
      %dma_start3A_40 = tpu.memref_slice %arg3[%add3A, %dma_start3A_38, %dma_start3A_39] : memref<32x25x128xi32, #tpu.memory_space<hbm>> -> memref<1x25x128xi32, #tpu.memory_space<hbm>>
      %dma_start3A_41 = tpu.memref_squeeze %dma_start3A_40 : memref<1x25x128xi32, #tpu.memory_space<hbm>> -> memref<25x128xi32, #tpu.memory_space<hbm>>
      tpu.enqueue_dma source(%dma_start3A_41 : memref<25x128xi32, #tpu.memory_space<hbm>>) target(%arg7 : memref<25x128xi32, #tpu.memory_space<vmem>>) target_semaphore(%run_scoped3A : memref<!tpu.dma_semaphore, #tpu.memory_space<semaphore_mem>>)
      %dma_wait3A_42 = arith.constant 0 : i32
      %dma_wait3A_43 = arith.constant 0 : i32
      %dma_wait3A_44 = tpu.memref_slice %arg3[%add3A, %dma_wait3A_42, %dma_wait3A_43] : memref<32x25x128xi32, #tpu.memory_space<hbm>> -> memref<1x25x128xi32, #tpu.memory_space<hbm>>
      %dma_wait3A_45 = tpu.memref_squeeze %dma_wait3A_44 : memref<1x25x128xi32, #tpu.memory_space<hbm>> -> memref<25x128xi32, #tpu.memory_space<hbm>>
      %dma_wait3A_46 = arith.constant 0 : i32
      %dma_wait3A_47 = arith.constant 0 : i32
      %dma_wait3A_48 = tpu.memref_slice %arg3[%add3A, %dma_wait3A_46, %dma_wait3A_47] : memref<32x25x128xi32, #tpu.memory_space<hbm>> -> memref<1x25x128xi32, #tpu.memory_space<hbm>>
      %dma_wait3A_49 = tpu.memref_squeeze %dma_wait3A_48 : memref<1x25x128xi32, #tpu.memory_space<hbm>> -> memref<25x128xi32, #tpu.memory_space<hbm>>
      tpu.wait_dma2 semaphore(%run_scoped3A : memref<!tpu.dma_semaphore, #tpu.memory_space<semaphore_mem>>) src(%dma_wait3A_49 : memref<25x128xi32, #tpu.memory_space<hbm>>) dst(%arg7 : memref<25x128xi32, #tpu.memory_space<vmem>>)
      tpu.yield
    }) : () -> ()
    "tpu.region"() ({
      %run_scoped3A = tpu.sem_alloc : memref<!tpu.dma_semaphore, #tpu.memory_space<semaphore_mem>>
      %dma_start3A = arith.constant 0 : i32
      %dma_start3A_35 = arith.constant 0 : i32
      %dma_start3A_36 = tpu.memref_slice %arg4[%add3A, %dma_start3A, %dma_start3A_35] : memref<32x5x64xi32, #tpu.memory_space<hbm>> -> memref<1x5x64xi32, #tpu.memory_space<hbm>>
      %dma_start3A_37 = tpu.memref_squeeze %dma_start3A_36 : memref<1x5x64xi32, #tpu.memory_space<hbm>> -> memref<5x64xi32, #tpu.memory_space<hbm>>
      %dma_start3A_38 = arith.constant 0 : i32
      %dma_start3A_39 = arith.constant 0 : i32
      %dma_start3A_40 = tpu.memref_slice %arg4[%add3A, %dma_start3A_38, %dma_start3A_39] : memref<32x5x64xi32, #tpu.memory_space<hbm>> -> memref<1x5x64xi32, #tpu.memory_space<hbm>>
      %dma_start3A_41 = tpu.memref_squeeze %dma_start3A_40 : memref<1x5x64xi32, #tpu.memory_space<hbm>> -> memref<5x64xi32, #tpu.memory_space<hbm>>
      tpu.enqueue_dma source(%dma_start3A_41 : memref<5x64xi32, #tpu.memory_space<hbm>>) target(%arg8 : memref<5x64xi32, #tpu.memory_space<vmem>>) target_semaphore(%run_scoped3A : memref<!tpu.dma_semaphore, #tpu.memory_space<semaphore_mem>>)
      %dma_wait3A_42 = arith.constant 0 : i32
      %dma_wait3A_43 = arith.constant 0 : i32
      %dma_wait3A_44 = tpu.memref_slice %arg4[%add3A, %dma_wait3A_42, %dma_wait3A_43] : memref<32x5x64xi32, #tpu.memory_space<hbm>> -> memref<1x5x64xi32, #tpu.memory_space<hbm>>
      %dma_wait3A_45 = tpu.memref_squeeze %dma_wait3A_44 : memref<1x5x64xi32, #tpu.memory_space<hbm>> -> memref<5x64xi32, #tpu.memory_space<hbm>>
      %dma_wait3A_46 = arith.constant 0 : i32
      %dma_wait3A_47 = arith.constant 0 : i32
      %dma_wait3A_48 = tpu.memref_slice %arg4[%add3A, %dma_wait3A_46, %dma_wait3A_47] : memref<32x5x64xi32, #tpu.memory_space<hbm>> -> memref<1x5x64xi32, #tpu.memory_space<hbm>>
      %dma_wait3A_49 = tpu.memref_squeeze %dma_wait3A_48 : memref<1x5x64xi32, #tpu.memory_space<hbm>> -> memref<5x64xi32, #tpu.memory_space<hbm>>
      tpu.wait_dma2 semaphore(%run_scoped3A : memref<!tpu.dma_semaphore, #tpu.memory_space<semaphore_mem>>) src(%dma_wait3A_49 : memref<5x64xi32, #tpu.memory_space<hbm>>) dst(%arg8 : memref<5x64xi32, #tpu.memory_space<vmem>>)
      tpu.yield
    }) : () -> ()
    %scan3A = arith.constant 0 : i32
    %scan3A_1 = arith.constant 0 : i32
    %scan3A_2 = arith.constant 25 : i32
    %scan3A_3 = arith.addi %scan3A_1, %scan3A_2 : i32
    %scan3A_4 = arith.constant 1 : i32
    scf.for %scan3A_35 = %scan3A_1 to %scan3A_3 step %scan3A_4  : i32 {
      %mul3A_36 = arith.constant 128 : i32
      %mul3A_37 = arith.muli %scan3A_35, %mul3A_36 : i32
      %dma_start3A = arith.constant 0 : i32
      %dma_start3A_38 = tpu.memref_slice %arg9[%mul3A_37, %dma_start3A] : memref<3200x32xbf16, #tpu.memory_space<vmem>> -> memref<128x32xbf16, #tpu.memory_space<vmem>>
      %dma_start3A_39 = arith.constant 0 : i32
      %dma_start3A_40 = tpu.memref_slice %arg7[%scan3A_35, %dma_start3A_39] : memref<25x128xi32, #tpu.memory_space<vmem>> -> memref<1x128xi32, #tpu.memory_space<vmem>>
      %dma_start3A_41 = tpu.memref_squeeze %dma_start3A_40 : memref<1x128xi32, #tpu.memory_space<vmem>> -> memref<128xi32, #tpu.memory_space<vmem>>
      %dma_start3A_42 = arith.constant 0 : i32
      %dma_start3A_43 = arith.constant 0 : i32
      %dma_start3A_44 = tpu.memref_slice %arg2[%dma_start3A_42, %dma_start3A_43] : memref<1000000x32xbf16, #tpu.memory_space<hbm>> -> memref<1000000x32xbf16, #tpu.memory_space<hbm>>
      tpu.enqueue_indirect_dma source(%dma_start3A_44 : memref<1000000x32xbf16, #tpu.memory_space<hbm>>) target(%dma_start3A_38 : memref<128x32xbf16, #tpu.memory_space<vmem>>) offsets(%dma_start3A_41 : memref<128xi32, #tpu.memory_space<vmem>>) semaphore(%arg10 : memref<!tpu.dma_semaphore, #tpu.memory_space<semaphore_mem>>)
      %ge3A = arith.constant 16 : i32
      %ge3A_45 = arith.cmpi sge, %scan3A_35, %ge3A : i32
      %convert_element_type3A = arith.extui %ge3A_45 : i1 to i32
      %cond3A = arith.constant 0 : i32
      %cond3A_46 = arith.cmpi ne, %convert_element_type3A, %cond3A : i32
      scf.if %cond3A_46 {
        %dma_wait3A_47 = arith.constant 0 : i32
        %dma_wait3A_48 = arith.constant 0 : i32
        %dma_wait3A_49 = tpu.memref_slice %arg9[%dma_wait3A_47, %dma_wait3A_48] : memref<3200x32xbf16, #tpu.memory_space<vmem>> -> memref<128x32xbf16, #tpu.memory_space<vmem>>
        %dma_wait3A_50 = arith.constant 0 : i32
        %dma_wait3A_51 = arith.constant 0 : i32
        %dma_wait3A_52 = tpu.memref_slice %arg2[%dma_wait3A_50, %dma_wait3A_51] : memref<1000000x32xbf16, #tpu.memory_space<hbm>> -> memref<128x32xbf16, #tpu.memory_space<hbm>>
        %dma_wait3A_53 = arith.constant 0 : i32
        %dma_wait3A_54 = arith.constant 0 : i32
        %dma_wait3A_55 = tpu.memref_slice %arg9[%dma_wait3A_53, %dma_wait3A_54] : memref<3200x32xbf16, #tpu.memory_space<vmem>> -> memref<128x32xbf16, #tpu.memory_space<vmem>>
        %dma_wait3A_56 = arith.constant 0 : i32
        %dma_wait3A_57 = arith.constant 0 : i32
        %dma_wait3A_58 = tpu.memref_slice %arg2[%dma_wait3A_56, %dma_wait3A_57] : memref<1000000x32xbf16, #tpu.memory_space<hbm>> -> memref<128x32xbf16, #tpu.memory_space<hbm>>
        tpu.wait_dma2 semaphore(%arg10 : memref<!tpu.dma_semaphore, #tpu.memory_space<semaphore_mem>>) src(%dma_wait3A_58 : memref<128x32xbf16, #tpu.memory_space<hbm>>) dst(%dma_wait3A_55 : memref<128x32xbf16, #tpu.memory_space<vmem>>)
      } else {
      }
    }
    %scan3A_5 = arith.constant 25 : i32
    %dma_wait3A = arith.constant 0 : i32
    %dma_wait3A_6 = arith.constant 0 : i32
    %dma_wait3A_7 = tpu.memref_slice %arg9[%dma_wait3A, %dma_wait3A_6] : memref<3200x32xbf16, #tpu.memory_space<vmem>> -> memref<2048x32xbf16, #tpu.memory_space<vmem>>
    %dma_wait3A_8 = arith.constant 0 : i32
    %dma_wait3A_9 = arith.constant 0 : i32
    %dma_wait3A_10 = tpu.memref_slice %arg2[%dma_wait3A_8, %dma_wait3A_9] : memref<1000000x32xbf16, #tpu.memory_space<hbm>> -> memref<2048x32xbf16, #tpu.memory_space<hbm>>
    %dma_wait3A_11 = arith.constant 0 : i32
    %dma_wait3A_12 = arith.constant 0 : i32
    %dma_wait3A_13 = tpu.memref_slice %arg9[%dma_wait3A_11, %dma_wait3A_12] : memref<3200x32xbf16, #tpu.memory_space<vmem>> -> memref<2048x32xbf16, #tpu.memory_space<vmem>>
    %dma_wait3A_14 = arith.constant 0 : i32
    %dma_wait3A_15 = arith.constant 0 : i32
    %dma_wait3A_16 = tpu.memref_slice %arg2[%dma_wait3A_14, %dma_wait3A_15] : memref<1000000x32xbf16, #tpu.memory_space<hbm>> -> memref<2048x32xbf16, #tpu.memory_space<hbm>>
    tpu.wait_dma2 semaphore(%arg10 : memref<!tpu.dma_semaphore, #tpu.memory_space<semaphore_mem>>) src(%dma_wait3A_16 : memref<2048x32xbf16, #tpu.memory_space<hbm>>) dst(%dma_wait3A_13 : memref<2048x32xbf16, #tpu.memory_space<vmem>>)
    "tpu.region"() ({
      %run_scoped3A = tpu.sem_alloc : memref<!tpu.dma_semaphore, #tpu.memory_space<semaphore_mem>>
      %dma_start3A = arith.constant 0 : i32
      %dma_start3A_35 = arith.constant 0 : i32
      %dma_start3A_36 = tpu.memref_slice %arg9[%dma_start3A, %dma_start3A_35] : memref<3200x32xbf16, #tpu.memory_space<vmem>> -> memref<3200x32xbf16, #tpu.memory_space<vmem>>
      %dma_start3A_37 = arith.constant 0 : i32
      %dma_start3A_38 = arith.constant 0 : i32
      %dma_start3A_39 = tpu.memref_slice %arg5[%add3A, %dma_start3A_37, %dma_start3A_38] : memref<32x3200x32xbf16, #tpu.memory_space<hbm>> -> memref<1x3200x32xbf16, #tpu.memory_space<hbm>>
      %dma_start3A_40 = tpu.memref_squeeze %dma_start3A_39 : memref<1x3200x32xbf16, #tpu.memory_space<hbm>> -> memref<3200x32xbf16, #tpu.memory_space<hbm>>
      %dma_start3A_41 = arith.constant 0 : i32
      %dma_start3A_42 = arith.constant 0 : i32
      %dma_start3A_43 = tpu.memref_slice %arg5[%add3A, %dma_start3A_41, %dma_start3A_42] : memref<32x3200x32xbf16, #tpu.memory_space<hbm>> -> memref<1x3200x32xbf16, #tpu.memory_space<hbm>>
      %dma_start3A_44 = tpu.memref_squeeze %dma_start3A_43 : memref<1x3200x32xbf16, #tpu.memory_space<hbm>> -> memref<3200x32xbf16, #tpu.memory_space<hbm>>
      %dma_start3A_45 = arith.constant 0 : i32
      %dma_start3A_46 = arith.constant 0 : i32
      %dma_start3A_47 = tpu.memref_slice %arg9[%dma_start3A_45, %dma_start3A_46] : memref<3200x32xbf16, #tpu.memory_space<vmem>> -> memref<3200x32xbf16, #tpu.memory_space<vmem>>
      tpu.enqueue_dma source(%dma_start3A_47 : memref<3200x32xbf16, #tpu.memory_space<vmem>>) target(%dma_start3A_44 : memref<3200x32xbf16, #tpu.memory_space<hbm>>) target_semaphore(%run_scoped3A : memref<!tpu.dma_semaphore, #tpu.memory_space<semaphore_mem>>)
      %dma_wait3A_48 = arith.constant 0 : i32
      %dma_wait3A_49 = arith.constant 0 : i32
      %dma_wait3A_50 = tpu.memref_slice %arg9[%dma_wait3A_48, %dma_wait3A_49] : memref<3200x32xbf16, #tpu.memory_space<vmem>> -> memref<3200x32xbf16, #tpu.memory_space<vmem>>
      %dma_wait3A_51 = arith.constant 0 : i32
      %dma_wait3A_52 = arith.constant 0 : i32
      %dma_wait3A_53 = tpu.memref_slice %arg5[%add3A, %dma_wait3A_51, %dma_wait3A_52] : memref<32x3200x32xbf16, #tpu.memory_space<hbm>> -> memref<1x3200x32xbf16, #tpu.memory_space<hbm>>
      %dma_wait3A_54 = tpu.memref_squeeze %dma_wait3A_53 : memref<1x3200x32xbf16, #tpu.memory_space<hbm>> -> memref<3200x32xbf16, #tpu.memory_space<hbm>>
      %dma_wait3A_55 = arith.constant 0 : i32
      %dma_wait3A_56 = arith.constant 0 : i32
      %dma_wait3A_57 = tpu.memref_slice %arg5[%add3A, %dma_wait3A_55, %dma_wait3A_56] : memref<32x3200x32xbf16, #tpu.memory_space<hbm>> -> memref<1x3200x32xbf16, #tpu.memory_space<hbm>>
      %dma_wait3A_58 = tpu.memref_squeeze %dma_wait3A_57 : memref<1x3200x32xbf16, #tpu.memory_space<hbm>> -> memref<3200x32xbf16, #tpu.memory_space<hbm>>
      %dma_wait3A_59 = arith.constant 0 : i32
      %dma_wait3A_60 = arith.constant 0 : i32
      %dma_wait3A_61 = tpu.memref_slice %arg9[%dma_wait3A_59, %dma_wait3A_60] : memref<3200x32xbf16, #tpu.memory_space<vmem>> -> memref<3200x32xbf16, #tpu.memory_space<vmem>>
      tpu.wait_dma2 semaphore(%run_scoped3A : memref<!tpu.dma_semaphore, #tpu.memory_space<semaphore_mem>>) src(%dma_wait3A_61 : memref<3200x32xbf16, #tpu.memory_space<vmem>>) dst(%dma_wait3A_58 : memref<3200x32xbf16, #tpu.memory_space<hbm>>)
      tpu.yield
    }) : () -> ()
    %scan3A_17 = arith.constant 0 : i32
    %scan3A_18 = arith.constant 0 : i32
    %scan3A_19 = arith.constant 5 : i32
    %scan3A_20 = arith.addi %scan3A_18, %scan3A_19 : i32
    %scan3A_21 = arith.constant 1 : i32
    scf.for %scan3A_35 = %scan3A_18 to %scan3A_20 step %scan3A_21  : i32 {
      %mul3A_36 = arith.constant 64 : i32
      %mul3A_37 = arith.muli %scan3A_35, %mul3A_36 : i32
      %dma_start3A = arith.constant 0 : i32
      %dma_start3A_38 = tpu.memref_slice %arg9[%mul3A_37, %dma_start3A] : memref<3200x32xbf16, #tpu.memory_space<vmem>> -> memref<64x32xbf16, #tpu.memory_space<vmem>>
      %dma_start3A_39 = arith.constant 0 : i32
      %dma_start3A_40 = tpu.memref_slice %arg8[%scan3A_35, %dma_start3A_39] : memref<5x64xi32, #tpu.memory_space<vmem>> -> memref<1x64xi32, #tpu.memory_space<vmem>>
      %dma_start3A_41 = tpu.memref_squeeze %dma_start3A_40 : memref<1x64xi32, #tpu.memory_space<vmem>> -> memref<64xi32, #tpu.memory_space<vmem>>
      %dma_start3A_42 = arith.constant 0 : i32
      %dma_start3A_43 = arith.constant 0 : i32
      %dma_start3A_44 = tpu.memref_slice %arg2[%dma_start3A_42, %dma_start3A_43] : memref<1000000x32xbf16, #tpu.memory_space<hbm>> -> memref<1000000x32xbf16, #tpu.memory_space<hbm>>
      tpu.enqueue_indirect_dma source(%dma_start3A_44 : memref<1000000x32xbf16, #tpu.memory_space<hbm>>) target(%dma_start3A_38 : memref<64x32xbf16, #tpu.memory_space<vmem>>) offsets(%dma_start3A_41 : memref<64xi32, #tpu.memory_space<vmem>>) semaphore(%arg10 : memref<!tpu.dma_semaphore, #tpu.memory_space<semaphore_mem>>)
      %ge3A = arith.constant 16 : i32
      %ge3A_45 = arith.cmpi sge, %scan3A_35, %ge3A : i32
      %convert_element_type3A = arith.extui %ge3A_45 : i1 to i32
      %cond3A = arith.constant 0 : i32
      %cond3A_46 = arith.cmpi ne, %convert_element_type3A, %cond3A : i32
      scf.if %cond3A_46 {
        %dma_wait3A_47 = arith.constant 0 : i32
        %dma_wait3A_48 = arith.constant 0 : i32
        %dma_wait3A_49 = tpu.memref_slice %arg9[%dma_wait3A_47, %dma_wait3A_48] : memref<3200x32xbf16, #tpu.memory_space<vmem>> -> memref<64x32xbf16, #tpu.memory_space<vmem>>
        %dma_wait3A_50 = arith.constant 0 : i32
        %dma_wait3A_51 = arith.constant 0 : i32
        %dma_wait3A_52 = tpu.memref_slice %arg2[%dma_wait3A_50, %dma_wait3A_51] : memref<1000000x32xbf16, #tpu.memory_space<hbm>> -> memref<64x32xbf16, #tpu.memory_space<hbm>>
        %dma_wait3A_53 = arith.constant 0 : i32
        %dma_wait3A_54 = arith.constant 0 : i32
        %dma_wait3A_55 = tpu.memref_slice %arg9[%dma_wait3A_53, %dma_wait3A_54] : memref<3200x32xbf16, #tpu.memory_space<vmem>> -> memref<64x32xbf16, #tpu.memory_space<vmem>>
        %dma_wait3A_56 = arith.constant 0 : i32
        %dma_wait3A_57 = arith.constant 0 : i32
        %dma_wait3A_58 = tpu.memref_slice %arg2[%dma_wait3A_56, %dma_wait3A_57] : memref<1000000x32xbf16, #tpu.memory_space<hbm>> -> memref<64x32xbf16, #tpu.memory_space<hbm>>
        tpu.wait_dma2 semaphore(%arg10 : memref<!tpu.dma_semaphore, #tpu.memory_space<semaphore_mem>>) src(%dma_wait3A_58 : memref<64x32xbf16, #tpu.memory_space<hbm>>) dst(%dma_wait3A_55 : memref<64x32xbf16, #tpu.memory_space<vmem>>)
      } else {
      }
    }
    %scan3A_22 = arith.constant 5 : i32
    %dma_wait3A_23 = arith.constant 0 : i32
    %dma_wait3A_24 = arith.constant 0 : i32
    %dma_wait3A_25 = tpu.memref_slice %arg9[%dma_wait3A_23, %dma_wait3A_24] : memref<3200x32xbf16, #tpu.memory_space<vmem>> -> memref<320x32xbf16, #tpu.memory_space<vmem>>
    %dma_wait3A_26 = arith.constant 0 : i32
    %dma_wait3A_27 = arith.constant 0 : i32
    %dma_wait3A_28 = tpu.memref_slice %arg2[%dma_wait3A_26, %dma_wait3A_27] : memref<1000000x32xbf16, #tpu.memory_space<hbm>> -> memref<320x32xbf16, #tpu.memory_space<hbm>>
    %dma_wait3A_29 = arith.constant 0 : i32
    %dma_wait3A_30 = arith.constant 0 : i32
    %dma_wait3A_31 = tpu.memref_slice %arg9[%dma_wait3A_29, %dma_wait3A_30] : memref<3200x32xbf16, #tpu.memory_space<vmem>> -> memref<320x32xbf16, #tpu.memory_space<vmem>>
    %dma_wait3A_32 = arith.constant 0 : i32
    %dma_wait3A_33 = arith.constant 0 : i32
    %dma_wait3A_34 = tpu.memref_slice %arg2[%dma_wait3A_32, %dma_wait3A_33] : memref<1000000x32xbf16, #tpu.memory_space<hbm>> -> memref<320x32xbf16, #tpu.memory_space<hbm>>
    tpu.wait_dma2 semaphore(%arg10 : memref<!tpu.dma_semaphore, #tpu.memory_space<semaphore_mem>>) src(%dma_wait3A_34 : memref<320x32xbf16, #tpu.memory_space<hbm>>) dst(%dma_wait3A_31 : memref<320x32xbf16, #tpu.memory_space<vmem>>)
    "tpu.region"() ({
      %run_scoped3A = tpu.sem_alloc : memref<!tpu.dma_semaphore, #tpu.memory_space<semaphore_mem>>
      %dma_start3A = arith.constant 0 : i32
      %dma_start3A_35 = arith.constant 0 : i32
      %dma_start3A_36 = tpu.memref_slice %arg9[%dma_start3A, %dma_start3A_35] : memref<3200x32xbf16, #tpu.memory_space<vmem>> -> memref<320x32xbf16, #tpu.memory_space<vmem>>
      %dma_start3A_37 = arith.constant 0 : i32
      %dma_start3A_38 = arith.constant 0 : i32
      %dma_start3A_39 = tpu.memref_slice %arg6[%add3A, %dma_start3A_37, %dma_start3A_38] : memref<32x320x32xbf16, #tpu.memory_space<hbm>> -> memref<1x320x32xbf16, #tpu.memory_space<hbm>>
      %dma_start3A_40 = tpu.memref_squeeze %dma_start3A_39 : memref<1x320x32xbf16, #tpu.memory_space<hbm>> -> memref<320x32xbf16, #tpu.memory_space<hbm>>
      %dma_start3A_41 = arith.constant 0 : i32
      %dma_start3A_42 = arith.constant 0 : i32
      %dma_start3A_43 = tpu.memref_slice %arg6[%add3A, %dma_start3A_41, %dma_start3A_42] : memref<32x320x32xbf16, #tpu.memory_space<hbm>> -> memref<1x320x32xbf16, #tpu.memory_space<hbm>>
      %dma_start3A_44 = tpu.memref_squeeze %dma_start3A_43 : memref<1x320x32xbf16, #tpu.memory_space<hbm>> -> memref<320x32xbf16, #tpu.memory_space<hbm>>
      %dma_start3A_45 = arith.constant 0 : i32
      %dma_start3A_46 = arith.constant 0 : i32
      %dma_start3A_47 = tpu.memref_slice %arg9[%dma_start3A_45, %dma_start3A_46] : memref<3200x32xbf16, #tpu.memory_space<vmem>> -> memref<320x32xbf16, #tpu.memory_space<vmem>>
      tpu.enqueue_dma source(%dma_start3A_47 : memref<320x32xbf16, #tpu.memory_space<vmem>>) target(%dma_start3A_44 : memref<320x32xbf16, #tpu.memory_space<hbm>>) target_semaphore(%run_scoped3A : memref<!tpu.dma_semaphore, #tpu.memory_space<semaphore_mem>>)
      %dma_wait3A_48 = arith.constant 0 : i32
      %dma_wait3A_49 = arith.constant 0 : i32
      %dma_wait3A_50 = tpu.memref_slice %arg9[%dma_wait3A_48, %dma_wait3A_49] : memref<3200x32xbf16, #tpu.memory_space<vmem>> -> memref<320x32xbf16, #tpu.memory_space<vmem>>
      %dma_wait3A_51 = arith.constant 0 : i32
      %dma_wait3A_52 = arith.constant 0 : i32
      %dma_wait3A_53 = tpu.memref_slice %arg6[%add3A, %dma_wait3A_51, %dma_wait3A_52] : memref<32x320x32xbf16, #tpu.memory_space<hbm>> -> memref<1x320x32xbf16, #tpu.memory_space<hbm>>
      %dma_wait3A_54 = tpu.memref_squeeze %dma_wait3A_53 : memref<1x320x32xbf16, #tpu.memory_space<hbm>> -> memref<320x32xbf16, #tpu.memory_space<hbm>>
      %dma_wait3A_55 = arith.constant 0 : i32
      %dma_wait3A_56 = arith.constant 0 : i32
      %dma_wait3A_57 = tpu.memref_slice %arg6[%add3A, %dma_wait3A_55, %dma_wait3A_56] : memref<32x320x32xbf16, #tpu.memory_space<hbm>> -> memref<1x320x32xbf16, #tpu.memory_space<hbm>>
      %dma_wait3A_58 = tpu.memref_squeeze %dma_wait3A_57 : memref<1x320x32xbf16, #tpu.memory_space<hbm>> -> memref<320x32xbf16, #tpu.memory_space<hbm>>
      %dma_wait3A_59 = arith.constant 0 : i32
      %dma_wait3A_60 = arith.constant 0 : i32
      %dma_wait3A_61 = tpu.memref_slice %arg9[%dma_wait3A_59, %dma_wait3A_60] : memref<3200x32xbf16, #tpu.memory_space<vmem>> -> memref<320x32xbf16, #tpu.memory_space<vmem>>
      tpu.wait_dma2 semaphore(%run_scoped3A : memref<!tpu.dma_semaphore, #tpu.memory_space<semaphore_mem>>) src(%dma_wait3A_61 : memref<320x32xbf16, #tpu.memory_space<vmem>>) dst(%dma_wait3A_58 : memref<320x32xbf16, #tpu.memory_space<hbm>>)
      tpu.yield
    }) : () -> ()
    return
  }
}

#map = affine_map<(d0, d1) -> (0, 0)>
#map1 = affine_map<(d0, d1) -> (0, 0, 0)>
module attributes {stable_mosaic.version = 14 : i64} {
  func.func @_sc_gather_body(%arg0: i32, %arg1: i32, %arg2: memref<1000000x32xbf16, #tpu.memory_space<hbm>>, %arg3: memref<32x25x128xi32, #tpu.memory_space<hbm>>, %arg4: memref<32x5x64xi32, #tpu.memory_space<hbm>>, %arg5: memref<32x3200x32xbf16, #tpu.memory_space<hbm>>, %arg6: memref<32x320x32xbf16, #tpu.memory_space<hbm>>, %arg7: memref<25x128xi32, #tpu.memory_space<vmem>>, %arg8: memref<5x64xi32, #tpu.memory_space<vmem>>, %arg9: memref<3200x32xbf16, #tpu.memory_space<vmem>>, %arg10: memref<!tpu.dma_semaphore, #tpu.memory_space<semaphore_mem>>) attributes {dimension_semantics = [#tpu.dimension_semantics<core_parallel>, #tpu.dimension_semantics<subcore_parallel>], iteration_bounds = array<i64: 2, 16>, scalar_prefetch = 0 : i64, scratch_operands = 4 : i64, tpu.core_type = #tpu.core_type<sc_vector_subcore>, window_params = [{transform_indices = #map}, {transform_indices = #map1}, {transform_indices = #map1}, {transform_indices = #map1}, {transform_indices = #map1}]} {
    %mul3A = arith.constant 2 : i32
    %mul3A_0 = arith.muli %arg1, %mul3A : i32
    %add3A = arith.addi %mul3A_0, %arg0 : i32
    "tpu.region"() ({
      %run_scoped3A = tpu.sem_alloc : memref<!tpu.dma_semaphore, #tpu.memory_space<semaphore_mem>>
      %dma_start3A = arith.constant 0 : i32
      %dma_start3A_35 = arith.constant 0 : i32
      %dma_start3A_36 = tpu.memref_slice %arg3[%add3A, %dma_start3A, %dma_start3A_35] : memref<32x25x128xi32, #tpu.memory_space<hbm>> -> memref<1x25x128xi32, #tpu.memory_space<hbm>>
      %dma_start3A_37 = tpu.memref_squeeze %dma_start3A_36 : memref<1x25x128xi32, #tpu.memory_space<hbm>> -> memref<25x128xi32, #tpu.memory_space<hbm>>
      %dma_start3A_38 = arith.constant 0 : i32
      %dma_start3A_39 = arith.constant 0 : i32
      %dma_start3A_40 = tpu.memref_slice %arg3[%add3A, %dma_start3A_38, %dma_start3A_39] : memref<32x25x128xi32, #tpu.memory_space<hbm>> -> memref<1x25x128xi32, #tpu.memory_space<hbm>>
      %dma_start3A_41 = tpu.memref_squeeze %dma_start3A_40 : memref<1x25x128xi32, #tpu.memory_space<hbm>> -> memref<25x128xi32, #tpu.memory_space<hbm>>
      tpu.enqueue_dma source(%dma_start3A_41 : memref<25x128xi32, #tpu.memory_space<hbm>>) target(%arg7 : memref<25x128xi32, #tpu.memory_space<vmem>>) target_semaphore(%run_scoped3A : memref<!tpu.dma_semaphore, #tpu.memory_space<semaphore_mem>>)
      %dma_wait3A_42 = arith.constant 0 : i32
      %dma_wait3A_43 = arith.constant 0 : i32
      %dma_wait3A_44 = tpu.memref_slice %arg3[%add3A, %dma_wait3A_42, %dma_wait3A_43] : memref<32x25x128xi32, #tpu.memory_space<hbm>> -> memref<1x25x128xi32, #tpu.memory_space<hbm>>
      %dma_wait3A_45 = tpu.memref_squeeze %dma_wait3A_44 : memref<1x25x128xi32, #tpu.memory_space<hbm>> -> memref<25x128xi32, #tpu.memory_space<hbm>>
      %dma_wait3A_46 = arith.constant 0 : i32
      %dma_wait3A_47 = arith.constant 0 : i32
      %dma_wait3A_48 = tpu.memref_slice %arg3[%add3A, %dma_wait3A_46, %dma_wait3A_47] : memref<32x25x128xi32, #tpu.memory_space<hbm>> -> memref<1x25x128xi32, #tpu.memory_space<hbm>>
      %dma_wait3A_49 = tpu.memref_squeeze %dma_wait3A_48 : memref<1x25x128xi32, #tpu.memory_space<hbm>> -> memref<25x128xi32, #tpu.memory_space<hbm>>
      tpu.wait_dma2 semaphore(%run_scoped3A : memref<!tpu.dma_semaphore, #tpu.memory_space<semaphore_mem>>) src(%dma_wait3A_49 : memref<25x128xi32, #tpu.memory_space<hbm>>) dst(%arg7 : memref<25x128xi32, #tpu.memory_space<vmem>>)
      tpu.yield
    }) : () -> ()
    "tpu.region"() ({
      %run_scoped3A = tpu.sem_alloc : memref<!tpu.dma_semaphore, #tpu.memory_space<semaphore_mem>>
      %dma_start3A = arith.constant 0 : i32
      %dma_start3A_35 = arith.constant 0 : i32
      %dma_start3A_36 = tpu.memref_slice %arg4[%add3A, %dma_start3A, %dma_start3A_35] : memref<32x5x64xi32, #tpu.memory_space<hbm>> -> memref<1x5x64xi32, #tpu.memory_space<hbm>>
      %dma_start3A_37 = tpu.memref_squeeze %dma_start3A_36 : memref<1x5x64xi32, #tpu.memory_space<hbm>> -> memref<5x64xi32, #tpu.memory_space<hbm>>
      %dma_start3A_38 = arith.constant 0 : i32
      %dma_start3A_39 = arith.constant 0 : i32
      %dma_start3A_40 = tpu.memref_slice %arg4[%add3A, %dma_start3A_38, %dma_start3A_39] : memref<32x5x64xi32, #tpu.memory_space<hbm>> -> memref<1x5x64xi32, #tpu.memory_space<hbm>>
      %dma_start3A_41 = tpu.memref_squeeze %dma_start3A_40 : memref<1x5x64xi32, #tpu.memory_space<hbm>> -> memref<5x64xi32, #tpu.memory_space<hbm>>
      tpu.enqueue_dma source(%dma_start3A_41 : memref<5x64xi32, #tpu.memory_space<hbm>>) target(%arg8 : memref<5x64xi32, #tpu.memory_space<vmem>>) target_semaphore(%run_scoped3A : memref<!tpu.dma_semaphore, #tpu.memory_space<semaphore_mem>>)
      %dma_wait3A_42 = arith.constant 0 : i32
      %dma_wait3A_43 = arith.constant 0 : i32
      %dma_wait3A_44 = tpu.memref_slice %arg4[%add3A, %dma_wait3A_42, %dma_wait3A_43] : memref<32x5x64xi32, #tpu.memory_space<hbm>> -> memref<1x5x64xi32, #tpu.memory_space<hbm>>
      %dma_wait3A_45 = tpu.memref_squeeze %dma_wait3A_44 : memref<1x5x64xi32, #tpu.memory_space<hbm>> -> memref<5x64xi32, #tpu.memory_space<hbm>>
      %dma_wait3A_46 = arith.constant 0 : i32
      %dma_wait3A_47 = arith.constant 0 : i32
      %dma_wait3A_48 = tpu.memref_slice %arg4[%add3A, %dma_wait3A_46, %dma_wait3A_47] : memref<32x5x64xi32, #tpu.memory_space<hbm>> -> memref<1x5x64xi32, #tpu.memory_space<hbm>>
      %dma_wait3A_49 = tpu.memref_squeeze %dma_wait3A_48 : memref<1x5x64xi32, #tpu.memory_space<hbm>> -> memref<5x64xi32, #tpu.memory_space<hbm>>
      tpu.wait_dma2 semaphore(%run_scoped3A : memref<!tpu.dma_semaphore, #tpu.memory_space<semaphore_mem>>) src(%dma_wait3A_49 : memref<5x64xi32, #tpu.memory_space<hbm>>) dst(%arg8 : memref<5x64xi32, #tpu.memory_space<vmem>>)
      tpu.yield
    }) : () -> ()
    %scan3A = arith.constant 0 : i32
    %scan3A_1 = arith.constant 0 : i32
    %scan3A_2 = arith.constant 25 : i32
    %scan3A_3 = arith.addi %scan3A_1, %scan3A_2 : i32
    %scan3A_4 = arith.constant 1 : i32
    scf.for %scan3A_35 = %scan3A_1 to %scan3A_3 step %scan3A_4  : i32 {
      %mul3A_36 = arith.constant 128 : i32
      %mul3A_37 = arith.muli %scan3A_35, %mul3A_36 : i32
      %dma_start3A = arith.constant 0 : i32
      %dma_start3A_38 = tpu.memref_slice %arg9[%mul3A_37, %dma_start3A] : memref<3200x32xbf16, #tpu.memory_space<vmem>> -> memref<128x32xbf16, #tpu.memory_space<vmem>>
      %dma_start3A_39 = arith.constant 0 : i32
      %dma_start3A_40 = tpu.memref_slice %arg7[%scan3A_35, %dma_start3A_39] : memref<25x128xi32, #tpu.memory_space<vmem>> -> memref<1x128xi32, #tpu.memory_space<vmem>>
      %dma_start3A_41 = tpu.memref_squeeze %dma_start3A_40 : memref<1x128xi32, #tpu.memory_space<vmem>> -> memref<128xi32, #tpu.memory_space<vmem>>
      %dma_start3A_42 = arith.constant 0 : i32
      %dma_start3A_43 = arith.constant 0 : i32
      %dma_start3A_44 = tpu.memref_slice %arg2[%dma_start3A_42, %dma_start3A_43] : memref<1000000x32xbf16, #tpu.memory_space<hbm>> -> memref<1000000x32xbf16, #tpu.memory_space<hbm>>
      tpu.enqueue_indirect_dma source(%dma_start3A_44 : memref<1000000x32xbf16, #tpu.memory_space<hbm>>) target(%dma_start3A_38 : memref<128x32xbf16, #tpu.memory_space<vmem>>) offsets(%dma_start3A_41 : memref<128xi32, #tpu.memory_space<vmem>>) semaphore(%arg10 : memref<!tpu.dma_semaphore, #tpu.memory_space<semaphore_mem>>)
      %ge3A = arith.constant 16 : i32
      %ge3A_45 = arith.cmpi sge, %scan3A_35, %ge3A : i32
      %convert_element_type3A = arith.extui %ge3A_45 : i1 to i32
      %cond3A = arith.constant 0 : i32
      %cond3A_46 = arith.cmpi ne, %convert_element_type3A, %cond3A : i32
      scf.if %cond3A_46 {
        %dma_wait3A_47 = arith.constant 0 : i32
        %dma_wait3A_48 = arith.constant 0 : i32
        %dma_wait3A_49 = tpu.memref_slice %arg9[%dma_wait3A_47, %dma_wait3A_48] : memref<3200x32xbf16, #tpu.memory_space<vmem>> -> memref<128x32xbf16, #tpu.memory_space<vmem>>
        %dma_wait3A_50 = arith.constant 0 : i32
        %dma_wait3A_51 = arith.constant 0 : i32
        %dma_wait3A_52 = tpu.memref_slice %arg2[%dma_wait3A_50, %dma_wait3A_51] : memref<1000000x32xbf16, #tpu.memory_space<hbm>> -> memref<128x32xbf16, #tpu.memory_space<hbm>>
        %dma_wait3A_53 = arith.constant 0 : i32
        %dma_wait3A_54 = arith.constant 0 : i32
        %dma_wait3A_55 = tpu.memref_slice %arg9[%dma_wait3A_53, %dma_wait3A_54] : memref<3200x32xbf16, #tpu.memory_space<vmem>> -> memref<128x32xbf16, #tpu.memory_space<vmem>>
        %dma_wait3A_56 = arith.constant 0 : i32
        %dma_wait3A_57 = arith.constant 0 : i32
        %dma_wait3A_58 = tpu.memref_slice %arg2[%dma_wait3A_56, %dma_wait3A_57] : memref<1000000x32xbf16, #tpu.memory_space<hbm>> -> memref<128x32xbf16, #tpu.memory_space<hbm>>
        tpu.wait_dma2 semaphore(%arg10 : memref<!tpu.dma_semaphore, #tpu.memory_space<semaphore_mem>>) src(%dma_wait3A_58 : memref<128x32xbf16, #tpu.memory_space<hbm>>) dst(%dma_wait3A_55 : memref<128x32xbf16, #tpu.memory_space<vmem>>)
      } else {
      }
    }
    %scan3A_5 = arith.constant 25 : i32
    %dma_wait3A = arith.constant 0 : i32
    %dma_wait3A_6 = arith.constant 0 : i32
    %dma_wait3A_7 = tpu.memref_slice %arg9[%dma_wait3A, %dma_wait3A_6] : memref<3200x32xbf16, #tpu.memory_space<vmem>> -> memref<2048x32xbf16, #tpu.memory_space<vmem>>
    %dma_wait3A_8 = arith.constant 0 : i32
    %dma_wait3A_9 = arith.constant 0 : i32
    %dma_wait3A_10 = tpu.memref_slice %arg2[%dma_wait3A_8, %dma_wait3A_9] : memref<1000000x32xbf16, #tpu.memory_space<hbm>> -> memref<2048x32xbf16, #tpu.memory_space<hbm>>
    %dma_wait3A_11 = arith.constant 0 : i32
    %dma_wait3A_12 = arith.constant 0 : i32
    %dma_wait3A_13 = tpu.memref_slice %arg9[%dma_wait3A_11, %dma_wait3A_12] : memref<3200x32xbf16, #tpu.memory_space<vmem>> -> memref<2048x32xbf16, #tpu.memory_space<vmem>>
    %dma_wait3A_14 = arith.constant 0 : i32
    %dma_wait3A_15 = arith.constant 0 : i32
    %dma_wait3A_16 = tpu.memref_slice %arg2[%dma_wait3A_14, %dma_wait3A_15] : memref<1000000x32xbf16, #tpu.memory_space<hbm>> -> memref<2048x32xbf16, #tpu.memory_space<hbm>>
    tpu.wait_dma2 semaphore(%arg10 : memref<!tpu.dma_semaphore, #tpu.memory_space<semaphore_mem>>) src(%dma_wait3A_16 : memref<2048x32xbf16, #tpu.memory_space<hbm>>) dst(%dma_wait3A_13 : memref<2048x32xbf16, #tpu.memory_space<vmem>>)
    "tpu.region"() ({
      %run_scoped3A = tpu.sem_alloc : memref<!tpu.dma_semaphore, #tpu.memory_space<semaphore_mem>>
      %dma_start3A = arith.constant 0 : i32
      %dma_start3A_35 = arith.constant 0 : i32
      %dma_start3A_36 = tpu.memref_slice %arg9[%dma_start3A, %dma_start3A_35] : memref<3200x32xbf16, #tpu.memory_space<vmem>> -> memref<3200x32xbf16, #tpu.memory_space<vmem>>
      %dma_start3A_37 = arith.constant 0 : i32
      %dma_start3A_38 = arith.constant 0 : i32
      %dma_start3A_39 = tpu.memref_slice %arg5[%add3A, %dma_start3A_37, %dma_start3A_38] : memref<32x3200x32xbf16, #tpu.memory_space<hbm>> -> memref<1x3200x32xbf16, #tpu.memory_space<hbm>>
      %dma_start3A_40 = tpu.memref_squeeze %dma_start3A_39 : memref<1x3200x32xbf16, #tpu.memory_space<hbm>> -> memref<3200x32xbf16, #tpu.memory_space<hbm>>
      %dma_start3A_41 = arith.constant 0 : i32
      %dma_start3A_42 = arith.constant 0 : i32
      %dma_start3A_43 = tpu.memref_slice %arg5[%add3A, %dma_start3A_41, %dma_start3A_42] : memref<32x3200x32xbf16, #tpu.memory_space<hbm>> -> memref<1x3200x32xbf16, #tpu.memory_space<hbm>>
      %dma_start3A_44 = tpu.memref_squeeze %dma_start3A_43 : memref<1x3200x32xbf16, #tpu.memory_space<hbm>> -> memref<3200x32xbf16, #tpu.memory_space<hbm>>
      %dma_start3A_45 = arith.constant 0 : i32
      %dma_start3A_46 = arith.constant 0 : i32
      %dma_start3A_47 = tpu.memref_slice %arg9[%dma_start3A_45, %dma_start3A_46] : memref<3200x32xbf16, #tpu.memory_space<vmem>> -> memref<3200x32xbf16, #tpu.memory_space<vmem>>
      tpu.enqueue_dma source(%dma_start3A_47 : memref<3200x32xbf16, #tpu.memory_space<vmem>>) target(%dma_start3A_44 : memref<3200x32xbf16, #tpu.memory_space<hbm>>) target_semaphore(%run_scoped3A : memref<!tpu.dma_semaphore, #tpu.memory_space<semaphore_mem>>)
      %dma_wait3A_48 = arith.constant 0 : i32
      %dma_wait3A_49 = arith.constant 0 : i32
      %dma_wait3A_50 = tpu.memref_slice %arg9[%dma_wait3A_48, %dma_wait3A_49] : memref<3200x32xbf16, #tpu.memory_space<vmem>> -> memref<3200x32xbf16, #tpu.memory_space<vmem>>
      %dma_wait3A_51 = arith.constant 0 : i32
      %dma_wait3A_52 = arith.constant 0 : i32
      %dma_wait3A_53 = tpu.memref_slice %arg5[%add3A, %dma_wait3A_51, %dma_wait3A_52] : memref<32x3200x32xbf16, #tpu.memory_space<hbm>> -> memref<1x3200x32xbf16, #tpu.memory_space<hbm>>
      %dma_wait3A_54 = tpu.memref_squeeze %dma_wait3A_53 : memref<1x3200x32xbf16, #tpu.memory_space<hbm>> -> memref<3200x32xbf16, #tpu.memory_space<hbm>>
      %dma_wait3A_55 = arith.constant 0 : i32
      %dma_wait3A_56 = arith.constant 0 : i32
      %dma_wait3A_57 = tpu.memref_slice %arg5[%add3A, %dma_wait3A_55, %dma_wait3A_56] : memref<32x3200x32xbf16, #tpu.memory_space<hbm>> -> memref<1x3200x32xbf16, #tpu.memory_space<hbm>>
      %dma_wait3A_58 = tpu.memref_squeeze %dma_wait3A_57 : memref<1x3200x32xbf16, #tpu.memory_space<hbm>> -> memref<3200x32xbf16, #tpu.memory_space<hbm>>
      %dma_wait3A_59 = arith.constant 0 : i32
      %dma_wait3A_60 = arith.constant 0 : i32
      %dma_wait3A_61 = tpu.memref_slice %arg9[%dma_wait3A_59, %dma_wait3A_60] : memref<3200x32xbf16, #tpu.memory_space<vmem>> -> memref<3200x32xbf16, #tpu.memory_space<vmem>>
      tpu.wait_dma2 semaphore(%run_scoped3A : memref<!tpu.dma_semaphore, #tpu.memory_space<semaphore_mem>>) src(%dma_wait3A_61 : memref<3200x32xbf16, #tpu.memory_space<vmem>>) dst(%dma_wait3A_58 : memref<3200x32xbf16, #tpu.memory_space<hbm>>)
      tpu.yield
    }) : () -> ()
    %scan3A_17 = arith.constant 0 : i32
    %scan3A_18 = arith.constant 0 : i32
    %scan3A_19 = arith.constant 5 : i32
    %scan3A_20 = arith.addi %scan3A_18, %scan3A_19 : i32
    %scan3A_21 = arith.constant 1 : i32
    scf.for %scan3A_35 = %scan3A_18 to %scan3A_20 step %scan3A_21  : i32 {
      %mul3A_36 = arith.constant 64 : i32
      %mul3A_37 = arith.muli %scan3A_35, %mul3A_36 : i32
      %dma_start3A = arith.constant 0 : i32
      %dma_start3A_38 = tpu.memref_slice %arg9[%mul3A_37, %dma_start3A] : memref<3200x32xbf16, #tpu.memory_space<vmem>> -> memref<64x32xbf16, #tpu.memory_space<vmem>>
      %dma_start3A_39 = arith.constant 0 : i32
      %dma_start3A_40 = tpu.memref_slice %arg8[%scan3A_35, %dma_start3A_39] : memref<5x64xi32, #tpu.memory_space<vmem>> -> memref<1x64xi32, #tpu.memory_space<vmem>>
      %dma_start3A_41 = tpu.memref_squeeze %dma_start3A_40 : memref<1x64xi32, #tpu.memory_space<vmem>> -> memref<64xi32, #tpu.memory_space<vmem>>
      %dma_start3A_42 = arith.constant 0 : i32
      %dma_start3A_43 = arith.constant 0 : i32
      %dma_start3A_44 = tpu.memref_slice %arg2[%dma_start3A_42, %dma_start3A_43] : memref<1000000x32xbf16, #tpu.memory_space<hbm>> -> memref<1000000x32xbf16, #tpu.memory_space<hbm>>
      tpu.enqueue_indirect_dma source(%dma_start3A_44 : memref<1000000x32xbf16, #tpu.memory_space<hbm>>) target(%dma_start3A_38 : memref<64x32xbf16, #tpu.memory_space<vmem>>) offsets(%dma_start3A_41 : memref<64xi32, #tpu.memory_space<vmem>>) semaphore(%arg10 : memref<!tpu.dma_semaphore, #tpu.memory_space<semaphore_mem>>)
      %ge3A = arith.constant 16 : i32
      %ge3A_45 = arith.cmpi sge, %scan3A_35, %ge3A : i32
      %convert_element_type3A = arith.extui %ge3A_45 : i1 to i32
      %cond3A = arith.constant 0 : i32
      %cond3A_46 = arith.cmpi ne, %convert_element_type3A, %cond3A : i32
      scf.if %cond3A_46 {
        %dma_wait3A_47 = arith.constant 0 : i32
        %dma_wait3A_48 = arith.constant 0 : i32
        %dma_wait3A_49 = tpu.memref_slice %arg9[%dma_wait3A_47, %dma_wait3A_48] : memref<3200x32xbf16, #tpu.memory_space<vmem>> -> memref<64x32xbf16, #tpu.memory_space<vmem>>
        %dma_wait3A_50 = arith.constant 0 : i32
        %dma_wait3A_51 = arith.constant 0 : i32
        %dma_wait3A_52 = tpu.memref_slice %arg2[%dma_wait3A_50, %dma_wait3A_51] : memref<1000000x32xbf16, #tpu.memory_space<hbm>> -> memref<64x32xbf16, #tpu.memory_space<hbm>>
        %dma_wait3A_53 = arith.constant 0 : i32
        %dma_wait3A_54 = arith.constant 0 : i32
        %dma_wait3A_55 = tpu.memref_slice %arg9[%dma_wait3A_53, %dma_wait3A_54] : memref<3200x32xbf16, #tpu.memory_space<vmem>> -> memref<64x32xbf16, #tpu.memory_space<vmem>>
        %dma_wait3A_56 = arith.constant 0 : i32
        %dma_wait3A_57 = arith.constant 0 : i32
        %dma_wait3A_58 = tpu.memref_slice %arg2[%dma_wait3A_56, %dma_wait3A_57] : memref<1000000x32xbf16, #tpu.memory_space<hbm>> -> memref<64x32xbf16, #tpu.memory_space<hbm>>
        tpu.wait_dma2 semaphore(%arg10 : memref<!tpu.dma_semaphore, #tpu.memory_space<semaphore_mem>>) src(%dma_wait3A_58 : memref<64x32xbf16, #tpu.memory_space<hbm>>) dst(%dma_wait3A_55 : memref<64x32xbf16, #tpu.memory_space<vmem>>)
      } else {
      }
    }
    %scan3A_22 = arith.constant 5 : i32
    %dma_wait3A_23 = arith.constant 0 : i32
    %dma_wait3A_24 = arith.constant 0 : i32
    %dma_wait3A_25 = tpu.memref_slice %arg9[%dma_wait3A_23, %dma_wait3A_24] : memref<3200x32xbf16, #tpu.memory_space<vmem>> -> memref<320x32xbf16, #tpu.memory_space<vmem>>
    %dma_wait3A_26 = arith.constant 0 : i32
    %dma_wait3A_27 = arith.constant 0 : i32
    %dma_wait3A_28 = tpu.memref_slice %arg2[%dma_wait3A_26, %dma_wait3A_27] : memref<1000000x32xbf16, #tpu.memory_space<hbm>> -> memref<320x32xbf16, #tpu.memory_space<hbm>>
    %dma_wait3A_29 = arith.constant 0 : i32
    %dma_wait3A_30 = arith.constant 0 : i32
    %dma_wait3A_31 = tpu.memref_slice %arg9[%dma_wait3A_29, %dma_wait3A_30] : memref<3200x32xbf16, #tpu.memory_space<vmem>> -> memref<320x32xbf16, #tpu.memory_space<vmem>>
    %dma_wait3A_32 = arith.constant 0 : i32
    %dma_wait3A_33 = arith.constant 0 : i32
    %dma_wait3A_34 = tpu.memref_slice %arg2[%dma_wait3A_32, %dma_wait3A_33] : memref<1000000x32xbf16, #tpu.memory_space<hbm>> -> memref<320x32xbf16, #tpu.memory_space<hbm>>
    tpu.wait_dma2 semaphore(%arg10 : memref<!tpu.dma_semaphore, #tpu.memory_space<semaphore_mem>>) src(%dma_wait3A_34 : memref<320x32xbf16, #tpu.memory_space<hbm>>) dst(%dma_wait3A_31 : memref<320x32xbf16, #tpu.memory_space<vmem>>)
    "tpu.region"() ({
      %run_scoped3A = tpu.sem_alloc : memref<!tpu.dma_semaphore, #tpu.memory_space<semaphore_mem>>
      %dma_start3A = arith.constant 0 : i32
      %dma_start3A_35 = arith.constant 0 : i32
      %dma_start3A_36 = tpu.memref_slice %arg9[%dma_start3A, %dma_start3A_35] : memref<3200x32xbf16, #tpu.memory_space<vmem>> -> memref<320x32xbf16, #tpu.memory_space<vmem>>
      %dma_start3A_37 = arith.constant 0 : i32
      %dma_start3A_38 = arith.constant 0 : i32
      %dma_start3A_39 = tpu.memref_slice %arg6[%add3A, %dma_start3A_37, %dma_start3A_38] : memref<32x320x32xbf16, #tpu.memory_space<hbm>> -> memref<1x320x32xbf16, #tpu.memory_space<hbm>>
      %dma_start3A_40 = tpu.memref_squeeze %dma_start3A_39 : memref<1x320x32xbf16, #tpu.memory_space<hbm>> -> memref<320x32xbf16, #tpu.memory_space<hbm>>
      %dma_start3A_41 = arith.constant 0 : i32
      %dma_start3A_42 = arith.constant 0 : i32
      %dma_start3A_43 = tpu.memref_slice %arg6[%add3A, %dma_start3A_41, %dma_start3A_42] : memref<32x320x32xbf16, #tpu.memory_space<hbm>> -> memref<1x320x32xbf16, #tpu.memory_space<hbm>>
      %dma_start3A_44 = tpu.memref_squeeze %dma_start3A_43 : memref<1x320x32xbf16, #tpu.memory_space<hbm>> -> memref<320x32xbf16, #tpu.memory_space<hbm>>
      %dma_start3A_45 = arith.constant 0 : i32
      %dma_start3A_46 = arith.constant 0 : i32
      %dma_start3A_47 = tpu.memref_slice %arg9[%dma_start3A_45, %dma_start3A_46] : memref<3200x32xbf16, #tpu.memory_space<vmem>> -> memref<320x32xbf16, #tpu.memory_space<vmem>>
      tpu.enqueue_dma source(%dma_start3A_47 : memref<320x32xbf16, #tpu.memory_space<vmem>>) target(%dma_start3A_44 : memref<320x32xbf16, #tpu.memory_space<hbm>>) target_semaphore(%run_scoped3A : memref<!tpu.dma_semaphore, #tpu.memory_space<semaphore_mem>>)
      %dma_wait3A_48 = arith.constant 0 : i32
      %dma_wait3A_49 = arith.constant 0 : i32
      %dma_wait3A_50 = tpu.memref_slice %arg9[%dma_wait3A_48, %dma_wait3A_49] : memref<3200x32xbf16, #tpu.memory_space<vmem>> -> memref<320x32xbf16, #tpu.memory_space<vmem>>
      %dma_wait3A_51 = arith.constant 0 : i32
      %dma_wait3A_52 = arith.constant 0 : i32
      %dma_wait3A_53 = tpu.memref_slice %arg6[%add3A, %dma_wait3A_51, %dma_wait3A_52] : memref<32x320x32xbf16, #tpu.memory_space<hbm>> -> memref<1x320x32xbf16, #tpu.memory_space<hbm>>
      %dma_wait3A_54 = tpu.memref_squeeze %dma_wait3A_53 : memref<1x320x32xbf16, #tpu.memory_space<hbm>> -> memref<320x32xbf16, #tpu.memory_space<hbm>>
      %dma_wait3A_55 = arith.constant 0 : i32
      %dma_wait3A_56 = arith.constant 0 : i32
      %dma_wait3A_57 = tpu.memref_slice %arg6[%add3A, %dma_wait3A_55, %dma_wait3A_56] : memref<32x320x32xbf16, #tpu.memory_space<hbm>> -> memref<1x320x32xbf16, #tpu.memory_space<hbm>>
      %dma_wait3A_58 = tpu.memref_squeeze %dma_wait3A_57 : memref<1x320x32xbf16, #tpu.memory_space<hbm>> -> memref<320x32xbf16, #tpu.memory_space<hbm>>
      %dma_wait3A_59 = arith.constant 0 : i32
      %dma_wait3A_60 = arith.constant 0 : i32
      %dma_wait3A_61 = tpu.memref_slice %arg9[%dma_wait3A_59, %dma_wait3A_60] : memref<3200x32xbf16, #tpu.memory_space<vmem>> -> memref<320x32xbf16, #tpu.memory_space<vmem>>
      tpu.wait_dma2 semaphore(%run_scoped3A : memref<!tpu.dma_semaphore, #tpu.memory_space<semaphore_mem>>) src(%dma_wait3A_61 : memref<320x32xbf16, #tpu.memory_space<vmem>>) dst(%dma_wait3A_58 : memref<320x32xbf16, #tpu.memory_space<hbm>>)
      tpu.yield
    }) : () -> ()
    return
  }
}

module attributes {stable_mosaic.version = 14 : i64} {
  func.func @_tc_loss_body(%arg0: i32, %arg1: memref<512x1600xbf16, #tpu.memory_space<vmem>>, %arg2: memref<512x160xbf16, #tpu.memory_space<vmem>>, %arg3: memref<1x1xf32, #tpu.memory_space<vmem>>) attributes {dimension_semantics = [#tpu.dimension_semantics<arbitrary>], iteration_bounds = array<i64: 4>, scalar_prefetch = 0 : i64, scratch_operands = 0 : i64, tpu.core_type = #tpu.core_type<tc>, window_params = [{transform_indices = @transform_0, window_bounds = array<i64: 512, 1600>}, {transform_indices = @transform_1, window_bounds = array<i64: 512, 160>}, {pipeline_mode = #tpu.pipeline_mode<synchronous>, transform_indices = @transform_2, window_bounds = array<i64: 1, 1>}]} {
    %get3A = arith.constant 0 : index
    %get3A_0 = arith.constant 0 : index
    %get3A_1 = vector.load %arg1[%get3A, %get3A_0] : memref<512x1600xbf16, #tpu.memory_space<vmem>>, vector<512x1600xbf16>
    %convert_element_type3A = arith.extf %get3A_1 : vector<512x1600xbf16> to vector<512x1600xf32>
    %get3A_2 = arith.constant 0 : index
    %get3A_3 = arith.constant 0 : index
    %get3A_4 = vector.load %arg2[%get3A_2, %get3A_3] : memref<512x160xbf16, #tpu.memory_space<vmem>>, vector<512x160xbf16>
    %convert_element_type3A_5 = arith.extf %get3A_4 : vector<512x160xbf16> to vector<512x160xf32>
    %iota3A = tpu.iota {dimensions = array<i32: 0>} : vector<1600x50xi32>
    %iota3A_6 = tpu.iota {dimensions = array<i32: 1>} : vector<1600x50xi32>
    %jit3A = arith.constant 32 : i32
    %div3A = vector.broadcast %jit3A : i32 to vector<1600x50xi32>
    %div3A_7 = arith.divsi %iota3A, %div3A : vector<1600x50xi32>
    %sign3A = arith.constant 0 : i32
    %sign3A_8 = vector.broadcast %sign3A : i32 to vector<1600x50xi32>
    %sign3A_9 = arith.cmpi sgt, %iota3A, %sign3A_8 : vector<1600x50xi32>
    %sign3A_10 = arith.extui %sign3A_9 : vector<1600x50xi1> to vector<1600x50xi32>
    %sign3A_11 = arith.constant 0 : i32
    %sign3A_12 = vector.broadcast %sign3A_11 : i32 to vector<1600x50xi32>
    %sign3A_13 = arith.cmpi slt, %iota3A, %sign3A_12 : vector<1600x50xi32>
    %sign3A_14 = arith.extui %sign3A_13 : vector<1600x50xi1> to vector<1600x50xi32>
    %sign3A_15 = arith.subi %sign3A_10, %sign3A_14 : vector<1600x50xi32>
    %sign3A_16 = arith.constant 0 : i32
    %sign3A_17 = arith.cmpi sgt, %jit3A, %sign3A_16 : i32
    %sign3A_18 = arith.extui %sign3A_17 : i1 to i32
    %sign3A_19 = arith.constant 0 : i32
    %sign3A_20 = arith.cmpi slt, %jit3A, %sign3A_19 : i32
    %sign3A_21 = arith.extui %sign3A_20 : i1 to i32
    %sign3A_22 = arith.subi %sign3A_18, %sign3A_21 : i32
    %ne3A = vector.broadcast %sign3A_22 : i32 to vector<1600x50xi32>
    %ne3A_23 = arith.cmpi ne, %sign3A_15, %ne3A : vector<1600x50xi32>
    %rem3A = vector.broadcast %jit3A : i32 to vector<1600x50xi32>
    %rem3A_24 = arith.remsi %iota3A, %rem3A : vector<1600x50xi32>
    %ne3A_25 = arith.constant 0 : i32
    %ne3A_26 = vector.broadcast %ne3A_25 : i32 to vector<1600x50xi32>
    %ne3A_27 = arith.cmpi ne, %rem3A_24, %ne3A_26 : vector<1600x50xi32>
    %and3A = arith.andi %ne3A_23, %ne3A_27 : vector<1600x50xi1>
    %sub3A = arith.constant 1 : i32
    %sub3A_28 = vector.broadcast %sub3A : i32 to vector<1600x50xi32>
    %sub3A_29 = arith.subi %div3A_7, %sub3A_28 : vector<1600x50xi32>
    %select_n3A = arith.select %and3A, %sub3A_29, %div3A_7 : vector<1600x50xi1>, vector<1600x50xi32>
    %eq3A = arith.cmpi eq, %select_n3A, %iota3A_6 : vector<1600x50xi32>
    %jit3A_30 = arith.constant 32 : i32
    %eq3A_31 = arith.constant 0 : i32
    %eq3A_32 = arith.cmpi eq, %jit3A_30, %eq3A_31 : i32
    %jit3A_33 = arith.constant 1 : i32
    %select_n3A_34 = arith.select %eq3A_32, %jit3A_33, %jit3A_30 : i32
    %rem3A_35 = vector.broadcast %select_n3A_34 : i32 to vector<1600x50xi32>
    %rem3A_36 = arith.remsi %iota3A, %rem3A_35 : vector<1600x50xi32>
    %ne3A_37 = arith.constant 0 : i32
    %ne3A_38 = vector.broadcast %ne3A_37 : i32 to vector<1600x50xi32>
    %ne3A_39 = arith.cmpi ne, %rem3A_36, %ne3A_38 : vector<1600x50xi32>
    %lt3A = arith.constant 0 : i32
    %lt3A_40 = vector.broadcast %lt3A : i32 to vector<1600x50xi32>
    %lt3A_41 = arith.cmpi slt, %rem3A_36, %lt3A_40 : vector<1600x50xi32>
    %lt3A_42 = arith.constant 0 : i32
    %lt3A_43 = arith.cmpi slt, %select_n3A_34, %lt3A_42 : i32
    %ne3A_44 = vector.broadcast %lt3A_43 : i1 to vector<1600x50xi1>
    %ne3A_45 = vector.broadcast %ne3A_44 : vector<1600x50xi1> to vector<1600x50xi1>
    %ne3A_46 = arith.xori %lt3A_41, %ne3A_45 : vector<1600x50xi1>
    %and3A_47 = arith.andi %ne3A_46, %ne3A_39 : vector<1600x50xi1>
    %add3A = vector.broadcast %select_n3A_34 : i32 to vector<1600x50xi32>
    %add3A_48 = arith.addi %rem3A_36, %add3A : vector<1600x50xi32>
    %select_n3A_49 = arith.select %and3A_47, %add3A_48, %rem3A_36 : vector<1600x50xi1>, vector<1600x50xi32>
    %lt3A_50 = arith.constant 16 : i32
    %lt3A_51 = vector.broadcast %lt3A_50 : i32 to vector<1600x50xi32>
    %lt3A_52 = arith.cmpi slt, %select_n3A_49, %lt3A_51 : vector<1600x50xi32>
    %and3A_53 = arith.andi %eq3A, %lt3A_52 : vector<1600x50xi1>
    %convert_element_type3A_54 = arith.extui %and3A_53 : vector<1600x50xi1> to vector<1600x50xi32>
    %convert_element_type3A_55 = arith.sitofp %convert_element_type3A_54 : vector<1600x50xi32> to vector<1600x50xf32>
    %jit3A_56 = arith.constant 32 : i32
    %div3A_57 = vector.broadcast %jit3A_56 : i32 to vector<1600x50xi32>
    %div3A_58 = arith.divsi %iota3A, %div3A_57 : vector<1600x50xi32>
    %sign3A_59 = arith.constant 0 : i32
    %sign3A_60 = vector.broadcast %sign3A_59 : i32 to vector<1600x50xi32>
    %sign3A_61 = arith.cmpi sgt, %iota3A, %sign3A_60 : vector<1600x50xi32>
    %sign3A_62 = arith.extui %sign3A_61 : vector<1600x50xi1> to vector<1600x50xi32>
    %sign3A_63 = arith.constant 0 : i32
    %sign3A_64 = vector.broadcast %sign3A_63 : i32 to vector<1600x50xi32>
    %sign3A_65 = arith.cmpi slt, %iota3A, %sign3A_64 : vector<1600x50xi32>
    %sign3A_66 = arith.extui %sign3A_65 : vector<1600x50xi1> to vector<1600x50xi32>
    %sign3A_67 = arith.subi %sign3A_62, %sign3A_66 : vector<1600x50xi32>
    %sign3A_68 = arith.constant 0 : i32
    %sign3A_69 = arith.cmpi sgt, %jit3A_56, %sign3A_68 : i32
    %sign3A_70 = arith.extui %sign3A_69 : i1 to i32
    %sign3A_71 = arith.constant 0 : i32
    %sign3A_72 = arith.cmpi slt, %jit3A_56, %sign3A_71 : i32
    %sign3A_73 = arith.extui %sign3A_72 : i1 to i32
    %sign3A_74 = arith.subi %sign3A_70, %sign3A_73 : i32
    %ne3A_75 = vector.broadcast %sign3A_74 : i32 to vector<1600x50xi32>
    %ne3A_76 = arith.cmpi ne, %sign3A_67, %ne3A_75 : vector<1600x50xi32>
    %rem3A_77 = vector.broadcast %jit3A_56 : i32 to vector<1600x50xi32>
    %rem3A_78 = arith.remsi %iota3A, %rem3A_77 : vector<1600x50xi32>
    %ne3A_79 = arith.constant 0 : i32
    %ne3A_80 = vector.broadcast %ne3A_79 : i32 to vector<1600x50xi32>
    %ne3A_81 = arith.cmpi ne, %rem3A_78, %ne3A_80 : vector<1600x50xi32>
    %and3A_82 = arith.andi %ne3A_76, %ne3A_81 : vector<1600x50xi1>
    %sub3A_83 = arith.constant 1 : i32
    %sub3A_84 = vector.broadcast %sub3A_83 : i32 to vector<1600x50xi32>
    %sub3A_85 = arith.subi %div3A_58, %sub3A_84 : vector<1600x50xi32>
    %select_n3A_86 = arith.select %and3A_82, %sub3A_85, %div3A_58 : vector<1600x50xi1>, vector<1600x50xi32>
    %eq3A_87 = arith.cmpi eq, %select_n3A_86, %iota3A_6 : vector<1600x50xi32>
    %jit3A_88 = arith.constant 32 : i32
    %eq3A_89 = arith.constant 0 : i32
    %eq3A_90 = arith.cmpi eq, %jit3A_88, %eq3A_89 : i32
    %jit3A_91 = arith.constant 1 : i32
    %select_n3A_92 = arith.select %eq3A_90, %jit3A_91, %jit3A_88 : i32
    %rem3A_93 = vector.broadcast %select_n3A_92 : i32 to vector<1600x50xi32>
    %rem3A_94 = arith.remsi %iota3A, %rem3A_93 : vector<1600x50xi32>
    %ne3A_95 = arith.constant 0 : i32
    %ne3A_96 = vector.broadcast %ne3A_95 : i32 to vector<1600x50xi32>
    %ne3A_97 = arith.cmpi ne, %rem3A_94, %ne3A_96 : vector<1600x50xi32>
    %lt3A_98 = arith.constant 0 : i32
    %lt3A_99 = vector.broadcast %lt3A_98 : i32 to vector<1600x50xi32>
    %lt3A_100 = arith.cmpi slt, %rem3A_94, %lt3A_99 : vector<1600x50xi32>
    %lt3A_101 = arith.constant 0 : i32
    %lt3A_102 = arith.cmpi slt, %select_n3A_92, %lt3A_101 : i32
    %ne3A_103 = vector.broadcast %lt3A_102 : i1 to vector<1600x50xi1>
    %ne3A_104 = vector.broadcast %ne3A_103 : vector<1600x50xi1> to vector<1600x50xi1>
    %ne3A_105 = arith.xori %lt3A_100, %ne3A_104 : vector<1600x50xi1>
    %and3A_106 = arith.andi %ne3A_105, %ne3A_97 : vector<1600x50xi1>
    %add3A_107 = vector.broadcast %select_n3A_92 : i32 to vector<1600x50xi32>
    %add3A_108 = arith.addi %rem3A_94, %add3A_107 : vector<1600x50xi32>
    %select_n3A_109 = arith.select %and3A_106, %add3A_108, %rem3A_94 : vector<1600x50xi1>, vector<1600x50xi32>
    %ge3A = arith.constant 16 : i32
    %ge3A_110 = vector.broadcast %ge3A : i32 to vector<1600x50xi32>
    %ge3A_111 = arith.cmpi sge, %select_n3A_109, %ge3A_110 : vector<1600x50xi32>
    %and3A_112 = arith.andi %eq3A_87, %ge3A_111 : vector<1600x50xi1>
    %convert_element_type3A_113 = arith.extui %and3A_112 : vector<1600x50xi1> to vector<1600x50xi32>
    %convert_element_type3A_114 = arith.sitofp %convert_element_type3A_113 : vector<1600x50xi32> to vector<1600x50xf32>
    %slice3A = vector.extract_strided_slice %convert_element_type3A {offsets = [0, 0], sizes = [512, 1552], strides = [1, 1]} : vector<512x1600xf32> to vector<512x1552xf32>
    %slice3A_115 = vector.extract_strided_slice %convert_element_type3A {offsets = [0, 48], sizes = [512, 1552], strides = [1, 1]} : vector<512x1600xf32> to vector<512x1552xf32>
    %mul3A = arith.mulf %slice3A, %slice3A_115 : vector<512x1552xf32>
    %slice3A_116 = vector.extract_strided_slice %convert_element_type3A_55 {offsets = [0, 0], sizes = [1552, 49], strides = [1, 1]} : vector<1600x50xf32> to vector<1552x49xf32>
    %dot_general3A = arith.constant dense<0.000000e+00> : vector<512x49xf32>
    %dot_general3A_117 = tpu.matmul %mul3A, %slice3A_116, %dot_general3A {dimension_numbers = #tpu.dot_dimension_numbers<[1], [0], [0], [1], [0, 0, 1, 1], [], []>, transpose_lhs_hint = false} : vector<512x1552xf32>, vector<1552x49xf32>, vector<512x49xf32> -> vector<512x49xf32>
    %slice3A_118 = vector.extract_strided_slice %convert_element_type3A {offsets = [0, 0], sizes = [512, 1584], strides = [1, 1]} : vector<512x1600xf32> to vector<512x1584xf32>
    %slice3A_119 = vector.extract_strided_slice %convert_element_type3A {offsets = [0, 16], sizes = [512, 1584], strides = [1, 1]} : vector<512x1600xf32> to vector<512x1584xf32>
    %mul3A_120 = arith.mulf %slice3A_118, %slice3A_119 : vector<512x1584xf32>
    %slice3A_121 = vector.extract_strided_slice %convert_element_type3A_114 {offsets = [0, 0], sizes = [1584, 49], strides = [1, 1]} : vector<1600x50xf32> to vector<1584x49xf32>
    %dot_general3A_122 = arith.constant dense<0.000000e+00> : vector<512x49xf32>
    %dot_general3A_123 = tpu.matmul %mul3A_120, %slice3A_121, %dot_general3A_122 {dimension_numbers = #tpu.dot_dimension_numbers<[1], [0], [0], [1], [0, 0, 1, 1], [], []>, transpose_lhs_hint = false} : vector<512x1584xf32>, vector<1584x49xf32>, vector<512x49xf32> -> vector<512x49xf32>
    %neg3A = arith.constant 0.000000e+00 : f32
    %neg3A_124 = vector.broadcast %neg3A : f32 to vector<512x49xf32>
    %neg3A_125 = arith.subf %neg3A_124, %dot_general3A_117 : vector<512x49xf32>
    %abs3A = math.absf %neg3A_125 : vector<512x49xf32>
    %neg3A_126 = arith.constant 0.000000e+00 : f32
    %neg3A_127 = vector.broadcast %neg3A_126 : f32 to vector<512x49xf32>
    %neg3A_128 = arith.subf %neg3A_127, %abs3A : vector<512x49xf32>
    %exp3A = math.exp %neg3A_128 : vector<512x49xf32>
    %log1p3A = math.log1p %exp3A : vector<512x49xf32>
    %max3A = arith.constant 0.000000e+00 : f32
    %max3A_129 = vector.broadcast %max3A : f32 to vector<512x49xf32>
    %max3A_130 = arith.maximumf %neg3A_125, %max3A_129 : vector<512x49xf32>
    %add3A_131 = arith.addf %log1p3A, %max3A_130 : vector<512x49xf32>
    %reduce_sum3A = vector.shape_cast %add3A_131 : vector<512x49xf32> to vector<1x512x49xf32>
    %reduce_sum3A_132 = arith.constant dense<0.000000e+00> : vector<1xf32>
    %reduce_sum3A_133 = vector.multi_reduction <add>, %reduce_sum3A, %reduce_sum3A_132 [1, 2] : vector<1x512x49xf32> to vector<1xf32>
    %reduce_sum3A_134 = vector.shape_cast %reduce_sum3A_133 : vector<1xf32> to vector<1x1x1xf32>
    %reduce_sum3A_135 = vector.extract %reduce_sum3A_134[0, 0, 0] : f32 from vector<1x1x1xf32>
    %neg3A_136 = arith.constant 0.000000e+00 : f32
    %neg3A_137 = vector.broadcast %neg3A_136 : f32 to vector<512x49xf32>
    %neg3A_138 = arith.subf %neg3A_137, %dot_general3A_123 : vector<512x49xf32>
    %abs3A_139 = math.absf %neg3A_138 : vector<512x49xf32>
    %neg3A_140 = arith.constant 0.000000e+00 : f32
    %neg3A_141 = vector.broadcast %neg3A_140 : f32 to vector<512x49xf32>
    %neg3A_142 = arith.subf %neg3A_141, %abs3A_139 : vector<512x49xf32>
    %exp3A_143 = math.exp %neg3A_142 : vector<512x49xf32>
    %log1p3A_144 = math.log1p %exp3A_143 : vector<512x49xf32>
    %max3A_145 = arith.constant 0.000000e+00 : f32
    %max3A_146 = vector.broadcast %max3A_145 : f32 to vector<512x49xf32>
    %max3A_147 = arith.maximumf %neg3A_138, %max3A_146 : vector<512x49xf32>
    %add3A_148 = arith.addf %log1p3A_144, %max3A_147 : vector<512x49xf32>
    %reduce_sum3A_149 = vector.shape_cast %add3A_148 : vector<512x49xf32> to vector<1x512x49xf32>
    %reduce_sum3A_150 = arith.constant dense<0.000000e+00> : vector<1xf32>
    %reduce_sum3A_151 = vector.multi_reduction <add>, %reduce_sum3A_149, %reduce_sum3A_150 [1, 2] : vector<1x512x49xf32> to vector<1xf32>
    %reduce_sum3A_152 = vector.shape_cast %reduce_sum3A_151 : vector<1xf32> to vector<1x1x1xf32>
    %reduce_sum3A_153 = vector.extract %reduce_sum3A_152[0, 0, 0] : f32 from vector<1x1x1xf32>
    %add3A_154 = arith.addf %reduce_sum3A_135, %reduce_sum3A_153 : f32
    %add3A_155 = arith.constant 0.000000e+00 : f32
    %add3A_156 = arith.addf %add3A_155, %add3A_154 : f32
    %slice3A_157 = vector.extract_strided_slice %convert_element_type3A {offsets = [0, 0], sizes = [512, 1520], strides = [1, 1]} : vector<512x1600xf32> to vector<512x1520xf32>
    %slice3A_158 = vector.extract_strided_slice %convert_element_type3A {offsets = [0, 80], sizes = [512, 1520], strides = [1, 1]} : vector<512x1600xf32> to vector<512x1520xf32>
    %mul3A_159 = arith.mulf %slice3A_157, %slice3A_158 : vector<512x1520xf32>
    %slice3A_160 = vector.extract_strided_slice %convert_element_type3A_55 {offsets = [0, 0], sizes = [1520, 48], strides = [1, 1]} : vector<1600x50xf32> to vector<1520x48xf32>
    %dot_general3A_161 = arith.constant dense<0.000000e+00> : vector<512x48xf32>
    %dot_general3A_162 = tpu.matmul %mul3A_159, %slice3A_160, %dot_general3A_161 {dimension_numbers = #tpu.dot_dimension_numbers<[1], [0], [0], [1], [0, 0, 1, 1], [], []>, transpose_lhs_hint = false} : vector<512x1520xf32>, vector<1520x48xf32>, vector<512x48xf32> -> vector<512x48xf32>
    %slice3A_163 = vector.extract_strided_slice %convert_element_type3A {offsets = [0, 0], sizes = [512, 1552], strides = [1, 1]} : vector<512x1600xf32> to vector<512x1552xf32>
    %slice3A_164 = vector.extract_strided_slice %convert_element_type3A {offsets = [0, 48], sizes = [512, 1552], strides = [1, 1]} : vector<512x1600xf32> to vector<512x1552xf32>
    %mul3A_165 = arith.mulf %slice3A_163, %slice3A_164 : vector<512x1552xf32>
    %slice3A_166 = vector.extract_strided_slice %convert_element_type3A_114 {offsets = [0, 0], sizes = [1552, 48], strides = [1, 1]} : vector<1600x50xf32> to vector<1552x48xf32>
    %dot_general3A_167 = arith.constant dense<0.000000e+00> : vector<512x48xf32>
    %dot_general3A_168 = tpu.matmul %mul3A_165, %slice3A_166, %dot_general3A_167 {dimension_numbers = #tpu.dot_dimension_numbers<[1], [0], [0], [1], [0, 0, 1, 1], [], []>, transpose_lhs_hint = false} : vector<512x1552xf32>, vector<1552x48xf32>, vector<512x48xf32> -> vector<512x48xf32>
    %neg3A_169 = arith.constant 0.000000e+00 : f32
    %neg3A_170 = vector.broadcast %neg3A_169 : f32 to vector<512x48xf32>
    %neg3A_171 = arith.subf %neg3A_170, %dot_general3A_162 : vector<512x48xf32>
    %abs3A_172 = math.absf %neg3A_171 : vector<512x48xf32>
    %neg3A_173 = arith.constant 0.000000e+00 : f32
    %neg3A_174 = vector.broadcast %neg3A_173 : f32 to vector<512x48xf32>
    %neg3A_175 = arith.subf %neg3A_174, %abs3A_172 : vector<512x48xf32>
    %exp3A_176 = math.exp %neg3A_175 : vector<512x48xf32>
    %log1p3A_177 = math.log1p %exp3A_176 : vector<512x48xf32>
    %max3A_178 = arith.constant 0.000000e+00 : f32
    %max3A_179 = vector.broadcast %max3A_178 : f32 to vector<512x48xf32>
    %max3A_180 = arith.maximumf %neg3A_171, %max3A_179 : vector<512x48xf32>
    %add3A_181 = arith.addf %log1p3A_177, %max3A_180 : vector<512x48xf32>
    %reduce_sum3A_182 = vector.shape_cast %add3A_181 : vector<512x48xf32> to vector<1x512x48xf32>
    %reduce_sum3A_183 = arith.constant dense<0.000000e+00> : vector<1xf32>
    %reduce_sum3A_184 = vector.multi_reduction <add>, %reduce_sum3A_182, %reduce_sum3A_183 [1, 2] : vector<1x512x48xf32> to vector<1xf32>
    %reduce_sum3A_185 = vector.shape_cast %reduce_sum3A_184 : vector<1xf32> to vector<1x1x1xf32>
    %reduce_sum3A_186 = vector.extract %reduce_sum3A_185[0, 0, 0] : f32 from vector<1x1x1xf32>
    %neg3A_187 = arith.constant 0.000000e+00 : f32
    %neg3A_188 = vector.broadcast %neg3A_187 : f32 to vector<512x48xf32>
    %neg3A_189 = arith.subf %neg3A_188, %dot_general3A_168 : vector<512x48xf32>
    %abs3A_190 = math.absf %neg3A_189 : vector<512x48xf32>
    %neg3A_191 = arith.constant 0.000000e+00 : f32
    %neg3A_192 = vector.broadcast %neg3A_191 : f32 to vector<512x48xf32>
    %neg3A_193 = arith.subf %neg3A_192, %abs3A_190 : vector<512x48xf32>
    %exp3A_194 = math.exp %neg3A_193 : vector<512x48xf32>
    %log1p3A_195 = math.log1p %exp3A_194 : vector<512x48xf32>
    %max3A_196 = arith.constant 0.000000e+00 : f32
    %max3A_197 = vector.broadcast %max3A_196 : f32 to vector<512x48xf32>
    %max3A_198 = arith.maximumf %neg3A_189, %max3A_197 : vector<512x48xf32>
    %add3A_199 = arith.addf %log1p3A_195, %max3A_198 : vector<512x48xf32>
    %reduce_sum3A_200 = vector.shape_cast %add3A_199 : vector<512x48xf32> to vector<1x512x48xf32>
    %reduce_sum3A_201 = arith.constant dense<0.000000e+00> : vector<1xf32>
    %reduce_sum3A_202 = vector.multi_reduction <add>, %reduce_sum3A_200, %reduce_sum3A_201 [1, 2] : vector<1x512x48xf32> to vector<1xf32>
    %reduce_sum3A_203 = vector.shape_cast %reduce_sum3A_202 : vector<1xf32> to vector<1x1x1xf32>
    %reduce_sum3A_204 = vector.extract %reduce_sum3A_203[0, 0, 0] : f32 from vector<1x1x1xf32>
    %add3A_205 = arith.addf %reduce_sum3A_186, %reduce_sum3A_204 : f32
    %add3A_206 = arith.addf %add3A_156, %add3A_205 : f32
    %slice3A_207 = vector.extract_strided_slice %convert_element_type3A {offsets = [0, 0], sizes = [512, 1488], strides = [1, 1]} : vector<512x1600xf32> to vector<512x1488xf32>
    %slice3A_208 = vector.extract_strided_slice %convert_element_type3A {offsets = [0, 112], sizes = [512, 1488], strides = [1, 1]} : vector<512x1600xf32> to vector<512x1488xf32>
    %mul3A_209 = arith.mulf %slice3A_207, %slice3A_208 : vector<512x1488xf32>
    %slice3A_210 = vector.extract_strided_slice %convert_element_type3A_55 {offsets = [0, 0], sizes = [1488, 47], strides = [1, 1]} : vector<1600x50xf32> to vector<1488x47xf32>
    %dot_general3A_211 = arith.constant dense<0.000000e+00> : vector<512x47xf32>
    %dot_general3A_212 = tpu.matmul %mul3A_209, %slice3A_210, %dot_general3A_211 {dimension_numbers = #tpu.dot_dimension_numbers<[1], [0], [0], [1], [0, 0, 1, 1], [], []>, transpose_lhs_hint = false} : vector<512x1488xf32>, vector<1488x47xf32>, vector<512x47xf32> -> vector<512x47xf32>
    %slice3A_213 = vector.extract_strided_slice %convert_element_type3A {offsets = [0, 0], sizes = [512, 1520], strides = [1, 1]} : vector<512x1600xf32> to vector<512x1520xf32>
    %slice3A_214 = vector.extract_strided_slice %convert_element_type3A {offsets = [0, 80], sizes = [512, 1520], strides = [1, 1]} : vector<512x1600xf32> to vector<512x1520xf32>
    %mul3A_215 = arith.mulf %slice3A_213, %slice3A_214 : vector<512x1520xf32>
    %slice3A_216 = vector.extract_strided_slice %convert_element_type3A_114 {offsets = [0, 0], sizes = [1520, 47], strides = [1, 1]} : vector<1600x50xf32> to vector<1520x47xf32>
    %dot_general3A_217 = arith.constant dense<0.000000e+00> : vector<512x47xf32>
    %dot_general3A_218 = tpu.matmul %mul3A_215, %slice3A_216, %dot_general3A_217 {dimension_numbers = #tpu.dot_dimension_numbers<[1], [0], [0], [1], [0, 0, 1, 1], [], []>, transpose_lhs_hint = false} : vector<512x1520xf32>, vector<1520x47xf32>, vector<512x47xf32> -> vector<512x47xf32>
    %neg3A_219 = arith.constant 0.000000e+00 : f32
    %neg3A_220 = vector.broadcast %neg3A_219 : f32 to vector<512x47xf32>
    %neg3A_221 = arith.subf %neg3A_220, %dot_general3A_212 : vector<512x47xf32>
    %abs3A_222 = math.absf %neg3A_221 : vector<512x47xf32>
    %neg3A_223 = arith.constant 0.000000e+00 : f32
    %neg3A_224 = vector.broadcast %neg3A_223 : f32 to vector<512x47xf32>
    %neg3A_225 = arith.subf %neg3A_224, %abs3A_222 : vector<512x47xf32>
    %exp3A_226 = math.exp %neg3A_225 : vector<512x47xf32>
    %log1p3A_227 = math.log1p %exp3A_226 : vector<512x47xf32>
    %max3A_228 = arith.constant 0.000000e+00 : f32
    %max3A_229 = vector.broadcast %max3A_228 : f32 to vector<512x47xf32>
    %max3A_230 = arith.maximumf %neg3A_221, %max3A_229 : vector<512x47xf32>
    %add3A_231 = arith.addf %log1p3A_227, %max3A_230 : vector<512x47xf32>
    %reduce_sum3A_232 = vector.shape_cast %add3A_231 : vector<512x47xf32> to vector<1x512x47xf32>
    %reduce_sum3A_233 = arith.constant dense<0.000000e+00> : vector<1xf32>
    %reduce_sum3A_234 = vector.multi_reduction <add>, %reduce_sum3A_232, %reduce_sum3A_233 [1, 2] : vector<1x512x47xf32> to vector<1xf32>
    %reduce_sum3A_235 = vector.shape_cast %reduce_sum3A_234 : vector<1xf32> to vector<1x1x1xf32>
    %reduce_sum3A_236 = vector.extract %reduce_sum3A_235[0, 0, 0] : f32 from vector<1x1x1xf32>
    %neg3A_237 = arith.constant 0.000000e+00 : f32
    %neg3A_238 = vector.broadcast %neg3A_237 : f32 to vector<512x47xf32>
    %neg3A_239 = arith.subf %neg3A_238, %dot_general3A_218 : vector<512x47xf32>
    %abs3A_240 = math.absf %neg3A_239 : vector<512x47xf32>
    %neg3A_241 = arith.constant 0.000000e+00 : f32
    %neg3A_242 = vector.broadcast %neg3A_241 : f32 to vector<512x47xf32>
    %neg3A_243 = arith.subf %neg3A_242, %abs3A_240 : vector<512x47xf32>
    %exp3A_244 = math.exp %neg3A_243 : vector<512x47xf32>
    %log1p3A_245 = math.log1p %exp3A_244 : vector<512x47xf32>
    %max3A_246 = arith.constant 0.000000e+00 : f32
    %max3A_247 = vector.broadcast %max3A_246 : f32 to vector<512x47xf32>
    %max3A_248 = arith.maximumf %neg3A_239, %max3A_247 : vector<512x47xf32>
    %add3A_249 = arith.addf %log1p3A_245, %max3A_248 : vector<512x47xf32>
    %reduce_sum3A_250 = vector.shape_cast %add3A_249 : vector<512x47xf32> to vector<1x512x47xf32>
    %reduce_sum3A_251 = arith.constant dense<0.000000e+00> : vector<1xf32>
    %reduce_sum3A_252 = vector.multi_reduction <add>, %reduce_sum3A_250, %reduce_sum3A_251 [1, 2] : vector<1x512x47xf32> to vector<1xf32>
    %reduce_sum3A_253 = vector.shape_cast %reduce_sum3A_252 : vector<1xf32> to vector<1x1x1xf32>
    %reduce_sum3A_254 = vector.extract %reduce_sum3A_253[0, 0, 0] : f32 from vector<1x1x1xf32>
    %add3A_255 = arith.addf %reduce_sum3A_236, %reduce_sum3A_254 : f32
    %add3A_256 = arith.addf %add3A_206, %add3A_255 : f32
    %slice3A_257 = vector.extract_strided_slice %convert_element_type3A {offsets = [0, 0], sizes = [512, 1456], strides = [1, 1]} : vector<512x1600xf32> to vector<512x1456xf32>
    %slice3A_258 = vector.extract_strided_slice %convert_element_type3A {offsets = [0, 144], sizes = [512, 1456], strides = [1, 1]} : vector<512x1600xf32> to vector<512x1456xf32>
    %mul3A_259 = arith.mulf %slice3A_257, %slice3A_258 : vector<512x1456xf32>
    %slice3A_260 = vector.extract_strided_slice %convert_element_type3A_55 {offsets = [0, 0], sizes = [1456, 46], strides = [1, 1]} : vector<1600x50xf32> to vector<1456x46xf32>
    %dot_general3A_261 = arith.constant dense<0.000000e+00> : vector<512x46xf32>
    %dot_general3A_262 = tpu.matmul %mul3A_259, %slice3A_260, %dot_general3A_261 {dimension_numbers = #tpu.dot_dimension_numbers<[1], [0], [0], [1], [0, 0, 1, 1], [], []>, transpose_lhs_hint = false} : vector<512x1456xf32>, vector<1456x46xf32>, vector<512x46xf32> -> vector<512x46xf32>
    %slice3A_263 = vector.extract_strided_slice %convert_element_type3A {offsets = [0, 0], sizes = [512, 1488], strides = [1, 1]} : vector<512x1600xf32> to vector<512x1488xf32>
    %slice3A_264 = vector.extract_strided_slice %convert_element_type3A {offsets = [0, 112], sizes = [512, 1488], strides = [1, 1]} : vector<512x1600xf32> to vector<512x1488xf32>
    %mul3A_265 = arith.mulf %slice3A_263, %slice3A_264 : vector<512x1488xf32>
    %slice3A_266 = vector.extract_strided_slice %convert_element_type3A_114 {offsets = [0, 0], sizes = [1488, 46], strides = [1, 1]} : vector<1600x50xf32> to vector<1488x46xf32>
    %dot_general3A_267 = arith.constant dense<0.000000e+00> : vector<512x46xf32>
    %dot_general3A_268 = tpu.matmul %mul3A_265, %slice3A_266, %dot_general3A_267 {dimension_numbers = #tpu.dot_dimension_numbers<[1], [0], [0], [1], [0, 0, 1, 1], [], []>, transpose_lhs_hint = false} : vector<512x1488xf32>, vector<1488x46xf32>, vector<512x46xf32> -> vector<512x46xf32>
    %neg3A_269 = arith.constant 0.000000e+00 : f32
    %neg3A_270 = vector.broadcast %neg3A_269 : f32 to vector<512x46xf32>
    %neg3A_271 = arith.subf %neg3A_270, %dot_general3A_262 : vector<512x46xf32>
    %abs3A_272 = math.absf %neg3A_271 : vector<512x46xf32>
    %neg3A_273 = arith.constant 0.000000e+00 : f32
    %neg3A_274 = vector.broadcast %neg3A_273 : f32 to vector<512x46xf32>
    %neg3A_275 = arith.subf %neg3A_274, %abs3A_272 : vector<512x46xf32>
    %exp3A_276 = math.exp %neg3A_275 : vector<512x46xf32>
    %log1p3A_277 = math.log1p %exp3A_276 : vector<512x46xf32>
    %max3A_278 = arith.constant 0.000000e+00 : f32
    %max3A_279 = vector.broadcast %max3A_278 : f32 to vector<512x46xf32>
    %max3A_280 = arith.maximumf %neg3A_271, %max3A_279 : vector<512x46xf32>
    %add3A_281 = arith.addf %log1p3A_277, %max3A_280 : vector<512x46xf32>
    %reduce_sum3A_282 = vector.shape_cast %add3A_281 : vector<512x46xf32> to vector<1x512x46xf32>
    %reduce_sum3A_283 = arith.constant dense<0.000000e+00> : vector<1xf32>
    %reduce_sum3A_284 = vector.multi_reduction <add>, %reduce_sum3A_282, %reduce_sum3A_283 [1, 2] : vector<1x512x46xf32> to vector<1xf32>
    %reduce_sum3A_285 = vector.shape_cast %reduce_sum3A_284 : vector<1xf32> to vector<1x1x1xf32>
    %reduce_sum3A_286 = vector.extract %reduce_sum3A_285[0, 0, 0] : f32 from vector<1x1x1xf32>
    %neg3A_287 = arith.constant 0.000000e+00 : f32
    %neg3A_288 = vector.broadcast %neg3A_287 : f32 to vector<512x46xf32>
    %neg3A_289 = arith.subf %neg3A_288, %dot_general3A_268 : vector<512x46xf32>
    %abs3A_290 = math.absf %neg3A_289 : vector<512x46xf32>
    %neg3A_291 = arith.constant 0.000000e+00 : f32
    %neg3A_292 = vector.broadcast %neg3A_291 : f32 to vector<512x46xf32>
    %neg3A_293 = arith.subf %neg3A_292, %abs3A_290 : vector<512x46xf32>
    %exp3A_294 = math.exp %neg3A_293 : vector<512x46xf32>
    %log1p3A_295 = math.log1p %exp3A_294 : vector<512x46xf32>
    %max3A_296 = arith.constant 0.000000e+00 : f32
    %max3A_297 = vector.broadcast %max3A_296 : f32 to vector<512x46xf32>
    %max3A_298 = arith.maximumf %neg3A_289, %max3A_297 : vector<512x46xf32>
    %add3A_299 = arith.addf %log1p3A_295, %max3A_298 : vector<512x46xf32>
    %reduce_sum3A_300 = vector.shape_cast %add3A_299 : vector<512x46xf32> to vector<1x512x46xf32>
    %reduce_sum3A_301 = arith.constant dense<0.000000e+00> : vector<1xf32>
    %reduce_sum3A_302 = vector.multi_reduction <add>, %reduce_sum3A_300, %reduce_sum3A_301 [1, 2] : vector<1x512x46xf32> to vector<1xf32>
    %reduce_sum3A_303 = vector.shape_cast %reduce_sum3A_302 : vector<1xf32> to vector<1x1x1xf32>
    %reduce_sum3A_304 = vector.extract %reduce_sum3A_303[0, 0, 0] : f32 from vector<1x1x1xf32>
    %add3A_305 = arith.addf %reduce_sum3A_286, %reduce_sum3A_304 : f32
    %add3A_306 = arith.addf %add3A_256, %add3A_305 : f32
    %slice3A_307 = vector.extract_strided_slice %convert_element_type3A {offsets = [0, 0], sizes = [512, 1424], strides = [1, 1]} : vector<512x1600xf32> to vector<512x1424xf32>
    %slice3A_308 = vector.extract_strided_slice %convert_element_type3A {offsets = [0, 176], sizes = [512, 1424], strides = [1, 1]} : vector<512x1600xf32> to vector<512x1424xf32>
    %mul3A_309 = arith.mulf %slice3A_307, %slice3A_308 : vector<512x1424xf32>
    %slice3A_310 = vector.extract_strided_slice %convert_element_type3A_55 {offsets = [0, 0], sizes = [1424, 45], strides = [1, 1]} : vector<1600x50xf32> to vector<1424x45xf32>
    %dot_general3A_311 = arith.constant dense<0.000000e+00> : vector<512x45xf32>
    %dot_general3A_312 = tpu.matmul %mul3A_309, %slice3A_310, %dot_general3A_311 {dimension_numbers = #tpu.dot_dimension_numbers<[1], [0], [0], [1], [0, 0, 1, 1], [], []>, transpose_lhs_hint = false} : vector<512x1424xf32>, vector<1424x45xf32>, vector<512x45xf32> -> vector<512x45xf32>
    %slice3A_313 = vector.extract_strided_slice %convert_element_type3A {offsets = [0, 0], sizes = [512, 1456], strides = [1, 1]} : vector<512x1600xf32> to vector<512x1456xf32>
    %slice3A_314 = vector.extract_strided_slice %convert_element_type3A {offsets = [0, 144], sizes = [512, 1456], strides = [1, 1]} : vector<512x1600xf32> to vector<512x1456xf32>
    %mul3A_315 = arith.mulf %slice3A_313, %slice3A_314 : vector<512x1456xf32>
    %slice3A_316 = vector.extract_strided_slice %convert_element_type3A_114 {offsets = [0, 0], sizes = [1456, 45], strides = [1, 1]} : vector<1600x50xf32> to vector<1456x45xf32>
    %dot_general3A_317 = arith.constant dense<0.000000e+00> : vector<512x45xf32>
    %dot_general3A_318 = tpu.matmul %mul3A_315, %slice3A_316, %dot_general3A_317 {dimension_numbers = #tpu.dot_dimension_numbers<[1], [0], [0], [1], [0, 0, 1, 1], [], []>, transpose_lhs_hint = false} : vector<512x1456xf32>, vector<1456x45xf32>, vector<512x45xf32> -> vector<512x45xf32>
    %neg3A_319 = arith.constant 0.000000e+00 : f32
    %neg3A_320 = vector.broadcast %neg3A_319 : f32 to vector<512x45xf32>
    %neg3A_321 = arith.subf %neg3A_320, %dot_general3A_312 : vector<512x45xf32>
    %abs3A_322 = math.absf %neg3A_321 : vector<512x45xf32>
    %neg3A_323 = arith.constant 0.000000e+00 : f32
    %neg3A_324 = vector.broadcast %neg3A_323 : f32 to vector<512x45xf32>
    %neg3A_325 = arith.subf %neg3A_324, %abs3A_322 : vector<512x45xf32>
    %exp3A_326 = math.exp %neg3A_325 : vector<512x45xf32>
    %log1p3A_327 = math.log1p %exp3A_326 : vector<512x45xf32>
    %max3A_328 = arith.constant 0.000000e+00 : f32
    %max3A_329 = vector.broadcast %max3A_328 : f32 to vector<512x45xf32>
    %max3A_330 = arith.maximumf %neg3A_321, %max3A_329 : vector<512x45xf32>
    %add3A_331 = arith.addf %log1p3A_327, %max3A_330 : vector<512x45xf32>
    %reduce_sum3A_332 = vector.shape_cast %add3A_331 : vector<512x45xf32> to vector<1x512x45xf32>
    %reduce_sum3A_333 = arith.constant dense<0.000000e+00> : vector<1xf32>
    %reduce_sum3A_334 = vector.multi_reduction <add>, %reduce_sum3A_332, %reduce_sum3A_333 [1, 2] : vector<1x512x45xf32> to vector<1xf32>
    %reduce_sum3A_335 = vector.shape_cast %reduce_sum3A_334 : vector<1xf32> to vector<1x1x1xf32>
    %reduce_sum3A_336 = vector.extract %reduce_sum3A_335[0, 0, 0] : f32 from vector<1x1x1xf32>
    %neg3A_337 = arith.constant 0.000000e+00 : f32
    %neg3A_338 = vector.broadcast %neg3A_337 : f32 to vector<512x45xf32>
    %neg3A_339 = arith.subf %neg3A_338, %dot_general3A_318 : vector<512x45xf32>
    %abs3A_340 = math.absf %neg3A_339 : vector<512x45xf32>
    %neg3A_341 = arith.constant 0.000000e+00 : f32
    %neg3A_342 = vector.broadcast %neg3A_341 : f32 to vector<512x45xf32>
    %neg3A_343 = arith.subf %neg3A_342, %abs3A_340 : vector<512x45xf32>
    %exp3A_344 = math.exp %neg3A_343 : vector<512x45xf32>
    %log1p3A_345 = math.log1p %exp3A_344 : vector<512x45xf32>
    %max3A_346 = arith.constant 0.000000e+00 : f32
    %max3A_347 = vector.broadcast %max3A_346 : f32 to vector<512x45xf32>
    %max3A_348 = arith.maximumf %neg3A_339, %max3A_347 : vector<512x45xf32>
    %add3A_349 = arith.addf %log1p3A_345, %max3A_348 : vector<512x45xf32>
    %reduce_sum3A_350 = vector.shape_cast %add3A_349 : vector<512x45xf32> to vector<1x512x45xf32>
    %reduce_sum3A_351 = arith.constant dense<0.000000e+00> : vector<1xf32>
    %reduce_sum3A_352 = vector.multi_reduction <add>, %reduce_sum3A_350, %reduce_sum3A_351 [1, 2] : vector<1x512x45xf32> to vector<1xf32>
    %reduce_sum3A_353 = vector.shape_cast %reduce_sum3A_352 : vector<1xf32> to vector<1x1x1xf32>
    %reduce_sum3A_354 = vector.extract %reduce_sum3A_353[0, 0, 0] : f32 from vector<1x1x1xf32>
    %add3A_355 = arith.addf %reduce_sum3A_336, %reduce_sum3A_354 : f32
    %add3A_356 = arith.addf %add3A_306, %add3A_355 : f32
    %iota3A_357 = tpu.iota {dimensions = array<i32: 0>} : vector<160x1600xi32>
    %iota3A_358 = tpu.iota {dimensions = array<i32: 1>} : vector<160x1600xi32>
    %jit3A_359 = arith.constant 32 : i32
    %eq3A_360 = arith.constant 0 : i32
    %eq3A_361 = arith.cmpi eq, %jit3A_359, %eq3A_360 : i32
    %jit3A_362 = arith.constant 1 : i32
    %select_n3A_363 = arith.select %eq3A_361, %jit3A_362, %jit3A_359 : i32
    %rem3A_364 = vector.broadcast %select_n3A_363 : i32 to vector<160x1600xi32>
    %rem3A_365 = arith.remsi %iota3A_358, %rem3A_364 : vector<160x1600xi32>
    %ne3A_366 = arith.constant 0 : i32
    %ne3A_367 = vector.broadcast %ne3A_366 : i32 to vector<160x1600xi32>
    %ne3A_368 = arith.cmpi ne, %rem3A_365, %ne3A_367 : vector<160x1600xi32>
    %lt3A_369 = arith.constant 0 : i32
    %lt3A_370 = vector.broadcast %lt3A_369 : i32 to vector<160x1600xi32>
    %lt3A_371 = arith.cmpi slt, %rem3A_365, %lt3A_370 : vector<160x1600xi32>
    %lt3A_372 = arith.constant 0 : i32
    %lt3A_373 = arith.cmpi slt, %select_n3A_363, %lt3A_372 : i32
    %ne3A_374 = vector.broadcast %lt3A_373 : i1 to vector<160x1600xi1>
    %ne3A_375 = vector.broadcast %ne3A_374 : vector<160x1600xi1> to vector<160x1600xi1>
    %ne3A_376 = arith.xori %lt3A_371, %ne3A_375 : vector<160x1600xi1>
    %and3A_377 = arith.andi %ne3A_376, %ne3A_368 : vector<160x1600xi1>
    %add3A_378 = vector.broadcast %select_n3A_363 : i32 to vector<160x1600xi32>
    %add3A_379 = arith.addi %rem3A_365, %add3A_378 : vector<160x1600xi32>
    %select_n3A_380 = arith.select %and3A_377, %add3A_379, %rem3A_365 : vector<160x1600xi1>, vector<160x1600xi32>
    %add3A_381 = arith.constant 16 : i32
    %add3A_382 = vector.broadcast %add3A_381 : i32 to vector<160x1600xi32>
    %add3A_383 = arith.addi %add3A_382, %select_n3A_380 : vector<160x1600xi32>
    %eq3A_384 = arith.cmpi eq, %iota3A_357, %add3A_383 : vector<160x1600xi32>
    %jit3A_385 = arith.constant 32 : i32
    %eq3A_386 = arith.constant 0 : i32
    %eq3A_387 = arith.cmpi eq, %jit3A_385, %eq3A_386 : i32
    %jit3A_388 = arith.constant 1 : i32
    %select_n3A_389 = arith.select %eq3A_387, %jit3A_388, %jit3A_385 : i32
    %rem3A_390 = vector.broadcast %select_n3A_389 : i32 to vector<160x1600xi32>
    %rem3A_391 = arith.remsi %iota3A_358, %rem3A_390 : vector<160x1600xi32>
    %ne3A_392 = arith.constant 0 : i32
    %ne3A_393 = vector.broadcast %ne3A_392 : i32 to vector<160x1600xi32>
    %ne3A_394 = arith.cmpi ne, %rem3A_391, %ne3A_393 : vector<160x1600xi32>
    %lt3A_395 = arith.constant 0 : i32
    %lt3A_396 = vector.broadcast %lt3A_395 : i32 to vector<160x1600xi32>
    %lt3A_397 = arith.cmpi slt, %rem3A_391, %lt3A_396 : vector<160x1600xi32>
    %lt3A_398 = arith.constant 0 : i32
    %lt3A_399 = arith.cmpi slt, %select_n3A_389, %lt3A_398 : i32
    %ne3A_400 = vector.broadcast %lt3A_399 : i1 to vector<160x1600xi1>
    %ne3A_401 = vector.broadcast %ne3A_400 : vector<160x1600xi1> to vector<160x1600xi1>
    %ne3A_402 = arith.xori %lt3A_397, %ne3A_401 : vector<160x1600xi1>
    %and3A_403 = arith.andi %ne3A_402, %ne3A_394 : vector<160x1600xi1>
    %add3A_404 = vector.broadcast %select_n3A_389 : i32 to vector<160x1600xi32>
    %add3A_405 = arith.addi %rem3A_391, %add3A_404 : vector<160x1600xi32>
    %select_n3A_406 = arith.select %and3A_403, %add3A_405, %rem3A_391 : vector<160x1600xi1>, vector<160x1600xi32>
    %lt3A_407 = arith.constant 16 : i32
    %lt3A_408 = vector.broadcast %lt3A_407 : i32 to vector<160x1600xi32>
    %lt3A_409 = arith.cmpi slt, %select_n3A_406, %lt3A_408 : vector<160x1600xi32>
    %and3A_410 = arith.andi %eq3A_384, %lt3A_409 : vector<160x1600xi1>
    %convert_element_type3A_411 = arith.extui %and3A_410 : vector<160x1600xi1> to vector<160x1600xi32>
    %convert_element_type3A_412 = arith.sitofp %convert_element_type3A_411 : vector<160x1600xi32> to vector<160x1600xf32>
    %dot_general3A_413 = arith.constant dense<0.000000e+00> : vector<512x1600xf32>
    %dot_general3A_414 = tpu.matmul %convert_element_type3A_5, %convert_element_type3A_412, %dot_general3A_413 {dimension_numbers = #tpu.dot_dimension_numbers<[1], [0], [0], [1], [0, 0, 1, 1], [], []>, transpose_lhs_hint = false} : vector<512x160xf32>, vector<160x1600xf32>, vector<512x1600xf32> -> vector<512x1600xf32>
    %mul3A_415 = arith.mulf %convert_element_type3A, %dot_general3A_414 : vector<512x1600xf32>
    %dot_general3A_416 = arith.constant dense<0.000000e+00> : vector<512x50xf32>
    %dot_general3A_417 = tpu.matmul %mul3A_415, %convert_element_type3A_55, %dot_general3A_416 {dimension_numbers = #tpu.dot_dimension_numbers<[1], [0], [0], [1], [0, 0, 1, 1], [], []>, transpose_lhs_hint = false} : vector<512x1600xf32>, vector<1600x50xf32>, vector<512x50xf32> -> vector<512x50xf32>
    %abs3A_418 = math.absf %dot_general3A_417 : vector<512x50xf32>
    %neg3A_419 = arith.constant 0.000000e+00 : f32
    %neg3A_420 = vector.broadcast %neg3A_419 : f32 to vector<512x50xf32>
    %neg3A_421 = arith.subf %neg3A_420, %abs3A_418 : vector<512x50xf32>
    %exp3A_422 = math.exp %neg3A_421 : vector<512x50xf32>
    %log1p3A_423 = math.log1p %exp3A_422 : vector<512x50xf32>
    %max3A_424 = arith.constant 0.000000e+00 : f32
    %max3A_425 = vector.broadcast %max3A_424 : f32 to vector<512x50xf32>
    %max3A_426 = arith.maximumf %dot_general3A_417, %max3A_425 : vector<512x50xf32>
    %add3A_427 = arith.addf %log1p3A_423, %max3A_426 : vector<512x50xf32>
    %reduce_sum3A_428 = vector.shape_cast %add3A_427 : vector<512x50xf32> to vector<1x512x50xf32>
    %reduce_sum3A_429 = arith.constant dense<0.000000e+00> : vector<1xf32>
    %reduce_sum3A_430 = vector.multi_reduction <add>, %reduce_sum3A_428, %reduce_sum3A_429 [1, 2] : vector<1x512x50xf32> to vector<1xf32>
    %reduce_sum3A_431 = vector.shape_cast %reduce_sum3A_430 : vector<1xf32> to vector<1x1x1xf32>
    %reduce_sum3A_432 = vector.extract %reduce_sum3A_431[0, 0, 0] : f32 from vector<1x1x1xf32>
    %add3A_433 = arith.constant 0.000000e+00 : f32
    %add3A_434 = arith.addf %add3A_433, %reduce_sum3A_432 : f32
    %jit3A_435 = arith.constant 32 : i32
    %eq3A_436 = arith.constant 0 : i32
    %eq3A_437 = arith.cmpi eq, %jit3A_435, %eq3A_436 : i32
    %jit3A_438 = arith.constant 1 : i32
    %select_n3A_439 = arith.select %eq3A_437, %jit3A_438, %jit3A_435 : i32
    %rem3A_440 = vector.broadcast %select_n3A_439 : i32 to vector<160x1600xi32>
    %rem3A_441 = arith.remsi %iota3A_358, %rem3A_440 : vector<160x1600xi32>
    %ne3A_442 = arith.constant 0 : i32
    %ne3A_443 = vector.broadcast %ne3A_442 : i32 to vector<160x1600xi32>
    %ne3A_444 = arith.cmpi ne, %rem3A_441, %ne3A_443 : vector<160x1600xi32>
    %lt3A_445 = arith.constant 0 : i32
    %lt3A_446 = vector.broadcast %lt3A_445 : i32 to vector<160x1600xi32>
    %lt3A_447 = arith.cmpi slt, %rem3A_441, %lt3A_446 : vector<160x1600xi32>
    %lt3A_448 = arith.constant 0 : i32
    %lt3A_449 = arith.cmpi slt, %select_n3A_439, %lt3A_448 : i32
    %ne3A_450 = vector.broadcast %lt3A_449 : i1 to vector<160x1600xi1>
    %ne3A_451 = vector.broadcast %ne3A_450 : vector<160x1600xi1> to vector<160x1600xi1>
    %ne3A_452 = arith.xori %lt3A_447, %ne3A_451 : vector<160x1600xi1>
    %and3A_453 = arith.andi %ne3A_452, %ne3A_444 : vector<160x1600xi1>
    %add3A_454 = vector.broadcast %select_n3A_439 : i32 to vector<160x1600xi32>
    %add3A_455 = arith.addi %rem3A_441, %add3A_454 : vector<160x1600xi32>
    %select_n3A_456 = arith.select %and3A_453, %add3A_455, %rem3A_441 : vector<160x1600xi1>, vector<160x1600xi32>
    %add3A_457 = arith.constant 48 : i32
    %add3A_458 = vector.broadcast %add3A_457 : i32 to vector<160x1600xi32>
    %add3A_459 = arith.addi %add3A_458, %select_n3A_456 : vector<160x1600xi32>
    %eq3A_460 = arith.cmpi eq, %iota3A_357, %add3A_459 : vector<160x1600xi32>
    %jit3A_461 = arith.constant 32 : i32
    %eq3A_462 = arith.constant 0 : i32
    %eq3A_463 = arith.cmpi eq, %jit3A_461, %eq3A_462 : i32
    %jit3A_464 = arith.constant 1 : i32
    %select_n3A_465 = arith.select %eq3A_463, %jit3A_464, %jit3A_461 : i32
    %rem3A_466 = vector.broadcast %select_n3A_465 : i32 to vector<160x1600xi32>
    %rem3A_467 = arith.remsi %iota3A_358, %rem3A_466 : vector<160x1600xi32>
    %ne3A_468 = arith.constant 0 : i32
    %ne3A_469 = vector.broadcast %ne3A_468 : i32 to vector<160x1600xi32>
    %ne3A_470 = arith.cmpi ne, %rem3A_467, %ne3A_469 : vector<160x1600xi32>
    %lt3A_471 = arith.constant 0 : i32
    %lt3A_472 = vector.broadcast %lt3A_471 : i32 to vector<160x1600xi32>
    %lt3A_473 = arith.cmpi slt, %rem3A_467, %lt3A_472 : vector<160x1600xi32>
    %lt3A_474 = arith.constant 0 : i32
    %lt3A_475 = arith.cmpi slt, %select_n3A_465, %lt3A_474 : i32
    %ne3A_476 = vector.broadcast %lt3A_475 : i1 to vector<160x1600xi1>
    %ne3A_477 = vector.broadcast %ne3A_476 : vector<160x1600xi1> to vector<160x1600xi1>
    %ne3A_478 = arith.xori %lt3A_473, %ne3A_477 : vector<160x1600xi1>
    %and3A_479 = arith.andi %ne3A_478, %ne3A_470 : vector<160x1600xi1>
    %add3A_480 = vector.broadcast %select_n3A_465 : i32 to vector<160x1600xi32>
    %add3A_481 = arith.addi %rem3A_467, %add3A_480 : vector<160x1600xi32>
    %select_n3A_482 = arith.select %and3A_479, %add3A_481, %rem3A_467 : vector<160x1600xi1>, vector<160x1600xi32>
    %lt3A_483 = arith.constant 16 : i32
    %lt3A_484 = vector.broadcast %lt3A_483 : i32 to vector<160x1600xi32>
    %lt3A_485 = arith.cmpi slt, %select_n3A_482, %lt3A_484 : vector<160x1600xi32>
    %and3A_486 = arith.andi %eq3A_460, %lt3A_485 : vector<160x1600xi1>
    %convert_element_type3A_487 = arith.extui %and3A_486 : vector<160x1600xi1> to vector<160x1600xi32>
    %convert_element_type3A_488 = arith.sitofp %convert_element_type3A_487 : vector<160x1600xi32> to vector<160x1600xf32>
    %dot_general3A_489 = arith.constant dense<0.000000e+00> : vector<512x1600xf32>
    %dot_general3A_490 = tpu.matmul %convert_element_type3A_5, %convert_element_type3A_488, %dot_general3A_489 {dimension_numbers = #tpu.dot_dimension_numbers<[1], [0], [0], [1], [0, 0, 1, 1], [], []>, transpose_lhs_hint = false} : vector<512x160xf32>, vector<160x1600xf32>, vector<512x1600xf32> -> vector<512x1600xf32>
    %mul3A_491 = arith.mulf %convert_element_type3A, %dot_general3A_490 : vector<512x1600xf32>
    %dot_general3A_492 = arith.constant dense<0.000000e+00> : vector<512x50xf32>
    %dot_general3A_493 = tpu.matmul %mul3A_491, %convert_element_type3A_55, %dot_general3A_492 {dimension_numbers = #tpu.dot_dimension_numbers<[1], [0], [0], [1], [0, 0, 1, 1], [], []>, transpose_lhs_hint = false} : vector<512x1600xf32>, vector<1600x50xf32>, vector<512x50xf32> -> vector<512x50xf32>
    %abs3A_494 = math.absf %dot_general3A_493 : vector<512x50xf32>
    %neg3A_495 = arith.constant 0.000000e+00 : f32
    %neg3A_496 = vector.broadcast %neg3A_495 : f32 to vector<512x50xf32>
    %neg3A_497 = arith.subf %neg3A_496, %abs3A_494 : vector<512x50xf32>
    %exp3A_498 = math.exp %neg3A_497 : vector<512x50xf32>
    %log1p3A_499 = math.log1p %exp3A_498 : vector<512x50xf32>
    %max3A_500 = arith.constant 0.000000e+00 : f32
    %max3A_501 = vector.broadcast %max3A_500 : f32 to vector<512x50xf32>
    %max3A_502 = arith.maximumf %dot_general3A_493, %max3A_501 : vector<512x50xf32>
    %add3A_503 = arith.addf %log1p3A_499, %max3A_502 : vector<512x50xf32>
    %reduce_sum3A_504 = vector.shape_cast %add3A_503 : vector<512x50xf32> to vector<1x512x50xf32>
    %reduce_sum3A_505 = arith.constant dense<0.000000e+00> : vector<1xf32>
    %reduce_sum3A_506 = vector.multi_reduction <add>, %reduce_sum3A_504, %reduce_sum3A_505 [1, 2] : vector<1x512x50xf32> to vector<1xf32>
    %reduce_sum3A_507 = vector.shape_cast %reduce_sum3A_506 : vector<1xf32> to vector<1x1x1xf32>
    %reduce_sum3A_508 = vector.extract %reduce_sum3A_507[0, 0, 0] : f32 from vector<1x1x1xf32>
    %add3A_509 = arith.addf %add3A_434, %reduce_sum3A_508 : f32
    %jit3A_510 = arith.constant 32 : i32
    %eq3A_511 = arith.constant 0 : i32
    %eq3A_512 = arith.cmpi eq, %jit3A_510, %eq3A_511 : i32
    %jit3A_513 = arith.constant 1 : i32
    %select_n3A_514 = arith.select %eq3A_512, %jit3A_513, %jit3A_510 : i32
    %rem3A_515 = vector.broadcast %select_n3A_514 : i32 to vector<160x1600xi32>
    %rem3A_516 = arith.remsi %iota3A_358, %rem3A_515 : vector<160x1600xi32>
    %ne3A_517 = arith.constant 0 : i32
    %ne3A_518 = vector.broadcast %ne3A_517 : i32 to vector<160x1600xi32>
    %ne3A_519 = arith.cmpi ne, %rem3A_516, %ne3A_518 : vector<160x1600xi32>
    %lt3A_520 = arith.constant 0 : i32
    %lt3A_521 = vector.broadcast %lt3A_520 : i32 to vector<160x1600xi32>
    %lt3A_522 = arith.cmpi slt, %rem3A_516, %lt3A_521 : vector<160x1600xi32>
    %lt3A_523 = arith.constant 0 : i32
    %lt3A_524 = arith.cmpi slt, %select_n3A_514, %lt3A_523 : i32
    %ne3A_525 = vector.broadcast %lt3A_524 : i1 to vector<160x1600xi1>
    %ne3A_526 = vector.broadcast %ne3A_525 : vector<160x1600xi1> to vector<160x1600xi1>
    %ne3A_527 = arith.xori %lt3A_522, %ne3A_526 : vector<160x1600xi1>
    %and3A_528 = arith.andi %ne3A_527, %ne3A_519 : vector<160x1600xi1>
    %add3A_529 = vector.broadcast %select_n3A_514 : i32 to vector<160x1600xi32>
    %add3A_530 = arith.addi %rem3A_516, %add3A_529 : vector<160x1600xi32>
    %select_n3A_531 = arith.select %and3A_528, %add3A_530, %rem3A_516 : vector<160x1600xi1>, vector<160x1600xi32>
    %add3A_532 = arith.constant 80 : i32
    %add3A_533 = vector.broadcast %add3A_532 : i32 to vector<160x1600xi32>
    %add3A_534 = arith.addi %add3A_533, %select_n3A_531 : vector<160x1600xi32>
    %eq3A_535 = arith.cmpi eq, %iota3A_357, %add3A_534 : vector<160x1600xi32>
    %jit3A_536 = arith.constant 32 : i32
    %eq3A_537 = arith.constant 0 : i32
    %eq3A_538 = arith.cmpi eq, %jit3A_536, %eq3A_537 : i32
    %jit3A_539 = arith.constant 1 : i32
    %select_n3A_540 = arith.select %eq3A_538, %jit3A_539, %jit3A_536 : i32
    %rem3A_541 = vector.broadcast %select_n3A_540 : i32 to vector<160x1600xi32>
    %rem3A_542 = arith.remsi %iota3A_358, %rem3A_541 : vector<160x1600xi32>
    %ne3A_543 = arith.constant 0 : i32
    %ne3A_544 = vector.broadcast %ne3A_543 : i32 to vector<160x1600xi32>
    %ne3A_545 = arith.cmpi ne, %rem3A_542, %ne3A_544 : vector<160x1600xi32>
    %lt3A_546 = arith.constant 0 : i32
    %lt3A_547 = vector.broadcast %lt3A_546 : i32 to vector<160x1600xi32>
    %lt3A_548 = arith.cmpi slt, %rem3A_542, %lt3A_547 : vector<160x1600xi32>
    %lt3A_549 = arith.constant 0 : i32
    %lt3A_550 = arith.cmpi slt, %select_n3A_540, %lt3A_549 : i32
    %ne3A_551 = vector.broadcast %lt3A_550 : i1 to vector<160x1600xi1>
    %ne3A_552 = vector.broadcast %ne3A_551 : vector<160x1600xi1> to vector<160x1600xi1>
    %ne3A_553 = arith.xori %lt3A_548, %ne3A_552 : vector<160x1600xi1>
    %and3A_554 = arith.andi %ne3A_553, %ne3A_545 : vector<160x1600xi1>
    %add3A_555 = vector.broadcast %select_n3A_540 : i32 to vector<160x1600xi32>
    %add3A_556 = arith.addi %rem3A_542, %add3A_555 : vector<160x1600xi32>
    %select_n3A_557 = arith.select %and3A_554, %add3A_556, %rem3A_542 : vector<160x1600xi1>, vector<160x1600xi32>
    %lt3A_558 = arith.constant 16 : i32
    %lt3A_559 = vector.broadcast %lt3A_558 : i32 to vector<160x1600xi32>
    %lt3A_560 = arith.cmpi slt, %select_n3A_557, %lt3A_559 : vector<160x1600xi32>
    %and3A_561 = arith.andi %eq3A_535, %lt3A_560 : vector<160x1600xi1>
    %convert_element_type3A_562 = arith.extui %and3A_561 : vector<160x1600xi1> to vector<160x1600xi32>
    %convert_element_type3A_563 = arith.sitofp %convert_element_type3A_562 : vector<160x1600xi32> to vector<160x1600xf32>
    %dot_general3A_564 = arith.constant dense<0.000000e+00> : vector<512x1600xf32>
    %dot_general3A_565 = tpu.matmul %convert_element_type3A_5, %convert_element_type3A_563, %dot_general3A_564 {dimension_numbers = #tpu.dot_dimension_numbers<[1], [0], [0], [1], [0, 0, 1, 1], [], []>, transpose_lhs_hint = false} : vector<512x160xf32>, vector<160x1600xf32>, vector<512x1600xf32> -> vector<512x1600xf32>
    %mul3A_566 = arith.mulf %convert_element_type3A, %dot_general3A_565 : vector<512x1600xf32>
    %dot_general3A_567 = arith.constant dense<0.000000e+00> : vector<512x50xf32>
    %dot_general3A_568 = tpu.matmul %mul3A_566, %convert_element_type3A_55, %dot_general3A_567 {dimension_numbers = #tpu.dot_dimension_numbers<[1], [0], [0], [1], [0, 0, 1, 1], [], []>, transpose_lhs_hint = false} : vector<512x1600xf32>, vector<1600x50xf32>, vector<512x50xf32> -> vector<512x50xf32>
    %abs3A_569 = math.absf %dot_general3A_568 : vector<512x50xf32>
    %neg3A_570 = arith.constant 0.000000e+00 : f32
    %neg3A_571 = vector.broadcast %neg3A_570 : f32 to vector<512x50xf32>
    %neg3A_572 = arith.subf %neg3A_571, %abs3A_569 : vector<512x50xf32>
    %exp3A_573 = math.exp %neg3A_572 : vector<512x50xf32>
    %log1p3A_574 = math.log1p %exp3A_573 : vector<512x50xf32>
    %max3A_575 = arith.constant 0.000000e+00 : f32
    %max3A_576 = vector.broadcast %max3A_575 : f32 to vector<512x50xf32>
    %max3A_577 = arith.maximumf %dot_general3A_568, %max3A_576 : vector<512x50xf32>
    %add3A_578 = arith.addf %log1p3A_574, %max3A_577 : vector<512x50xf32>
    %reduce_sum3A_579 = vector.shape_cast %add3A_578 : vector<512x50xf32> to vector<1x512x50xf32>
    %reduce_sum3A_580 = arith.constant dense<0.000000e+00> : vector<1xf32>
    %reduce_sum3A_581 = vector.multi_reduction <add>, %reduce_sum3A_579, %reduce_sum3A_580 [1, 2] : vector<1x512x50xf32> to vector<1xf32>
    %reduce_sum3A_582 = vector.shape_cast %reduce_sum3A_581 : vector<1xf32> to vector<1x1x1xf32>
    %reduce_sum3A_583 = vector.extract %reduce_sum3A_582[0, 0, 0] : f32 from vector<1x1x1xf32>
    %add3A_584 = arith.addf %add3A_509, %reduce_sum3A_583 : f32
    %jit3A_585 = arith.constant 32 : i32
    %eq3A_586 = arith.constant 0 : i32
    %eq3A_587 = arith.cmpi eq, %jit3A_585, %eq3A_586 : i32
    %jit3A_588 = arith.constant 1 : i32
    %select_n3A_589 = arith.select %eq3A_587, %jit3A_588, %jit3A_585 : i32
    %rem3A_590 = vector.broadcast %select_n3A_589 : i32 to vector<160x1600xi32>
    %rem3A_591 = arith.remsi %iota3A_358, %rem3A_590 : vector<160x1600xi32>
    %ne3A_592 = arith.constant 0 : i32
    %ne3A_593 = vector.broadcast %ne3A_592 : i32 to vector<160x1600xi32>
    %ne3A_594 = arith.cmpi ne, %rem3A_591, %ne3A_593 : vector<160x1600xi32>
    %lt3A_595 = arith.constant 0 : i32
    %lt3A_596 = vector.broadcast %lt3A_595 : i32 to vector<160x1600xi32>
    %lt3A_597 = arith.cmpi slt, %rem3A_591, %lt3A_596 : vector<160x1600xi32>
    %lt3A_598 = arith.constant 0 : i32
    %lt3A_599 = arith.cmpi slt, %select_n3A_589, %lt3A_598 : i32
    %ne3A_600 = vector.broadcast %lt3A_599 : i1 to vector<160x1600xi1>
    %ne3A_601 = vector.broadcast %ne3A_600 : vector<160x1600xi1> to vector<160x1600xi1>
    %ne3A_602 = arith.xori %lt3A_597, %ne3A_601 : vector<160x1600xi1>
    %and3A_603 = arith.andi %ne3A_602, %ne3A_594 : vector<160x1600xi1>
    %add3A_604 = vector.broadcast %select_n3A_589 : i32 to vector<160x1600xi32>
    %add3A_605 = arith.addi %rem3A_591, %add3A_604 : vector<160x1600xi32>
    %select_n3A_606 = arith.select %and3A_603, %add3A_605, %rem3A_591 : vector<160x1600xi1>, vector<160x1600xi32>
    %add3A_607 = arith.constant 112 : i32
    %add3A_608 = vector.broadcast %add3A_607 : i32 to vector<160x1600xi32>
    %add3A_609 = arith.addi %add3A_608, %select_n3A_606 : vector<160x1600xi32>
    %eq3A_610 = arith.cmpi eq, %iota3A_357, %add3A_609 : vector<160x1600xi32>
    %jit3A_611 = arith.constant 32 : i32
    %eq3A_612 = arith.constant 0 : i32
    %eq3A_613 = arith.cmpi eq, %jit3A_611, %eq3A_612 : i32
    %jit3A_614 = arith.constant 1 : i32
    %select_n3A_615 = arith.select %eq3A_613, %jit3A_614, %jit3A_611 : i32
    %rem3A_616 = vector.broadcast %select_n3A_615 : i32 to vector<160x1600xi32>
    %rem3A_617 = arith.remsi %iota3A_358, %rem3A_616 : vector<160x1600xi32>
    %ne3A_618 = arith.constant 0 : i32
    %ne3A_619 = vector.broadcast %ne3A_618 : i32 to vector<160x1600xi32>
    %ne3A_620 = arith.cmpi ne, %rem3A_617, %ne3A_619 : vector<160x1600xi32>
    %lt3A_621 = arith.constant 0 : i32
    %lt3A_622 = vector.broadcast %lt3A_621 : i32 to vector<160x1600xi32>
    %lt3A_623 = arith.cmpi slt, %rem3A_617, %lt3A_622 : vector<160x1600xi32>
    %lt3A_624 = arith.constant 0 : i32
    %lt3A_625 = arith.cmpi slt, %select_n3A_615, %lt3A_624 : i32
    %ne3A_626 = vector.broadcast %lt3A_625 : i1 to vector<160x1600xi1>
    %ne3A_627 = vector.broadcast %ne3A_626 : vector<160x1600xi1> to vector<160x1600xi1>
    %ne3A_628 = arith.xori %lt3A_623, %ne3A_627 : vector<160x1600xi1>
    %and3A_629 = arith.andi %ne3A_628, %ne3A_620 : vector<160x1600xi1>
    %add3A_630 = vector.broadcast %select_n3A_615 : i32 to vector<160x1600xi32>
    %add3A_631 = arith.addi %rem3A_617, %add3A_630 : vector<160x1600xi32>
    %select_n3A_632 = arith.select %and3A_629, %add3A_631, %rem3A_617 : vector<160x1600xi1>, vector<160x1600xi32>
    %lt3A_633 = arith.constant 16 : i32
    %lt3A_634 = vector.broadcast %lt3A_633 : i32 to vector<160x1600xi32>
    %lt3A_635 = arith.cmpi slt, %select_n3A_632, %lt3A_634 : vector<160x1600xi32>
    %and3A_636 = arith.andi %eq3A_610, %lt3A_635 : vector<160x1600xi1>
    %convert_element_type3A_637 = arith.extui %and3A_636 : vector<160x1600xi1> to vector<160x1600xi32>
    %convert_element_type3A_638 = arith.sitofp %convert_element_type3A_637 : vector<160x1600xi32> to vector<160x1600xf32>
    %dot_general3A_639 = arith.constant dense<0.000000e+00> : vector<512x1600xf32>
    %dot_general3A_640 = tpu.matmul %convert_element_type3A_5, %convert_element_type3A_638, %dot_general3A_639 {dimension_numbers = #tpu.dot_dimension_numbers<[1], [0], [0], [1], [0, 0, 1, 1], [], []>, transpose_lhs_hint = false} : vector<512x160xf32>, vector<160x1600xf32>, vector<512x1600xf32> -> vector<512x1600xf32>
    %mul3A_641 = arith.mulf %convert_element_type3A, %dot_general3A_640 : vector<512x1600xf32>
    %dot_general3A_642 = arith.constant dense<0.000000e+00> : vector<512x50xf32>
    %dot_general3A_643 = tpu.matmul %mul3A_641, %convert_element_type3A_55, %dot_general3A_642 {dimension_numbers = #tpu.dot_dimension_numbers<[1], [0], [0], [1], [0, 0, 1, 1], [], []>, transpose_lhs_hint = false} : vector<512x1600xf32>, vector<1600x50xf32>, vector<512x50xf32> -> vector<512x50xf32>
    %abs3A_644 = math.absf %dot_general3A_643 : vector<512x50xf32>
    %neg3A_645 = arith.constant 0.000000e+00 : f32
    %neg3A_646 = vector.broadcast %neg3A_645 : f32 to vector<512x50xf32>
    %neg3A_647 = arith.subf %neg3A_646, %abs3A_644 : vector<512x50xf32>
    %exp3A_648 = math.exp %neg3A_647 : vector<512x50xf32>
    %log1p3A_649 = math.log1p %exp3A_648 : vector<512x50xf32>
    %max3A_650 = arith.constant 0.000000e+00 : f32
    %max3A_651 = vector.broadcast %max3A_650 : f32 to vector<512x50xf32>
    %max3A_652 = arith.maximumf %dot_general3A_643, %max3A_651 : vector<512x50xf32>
    %add3A_653 = arith.addf %log1p3A_649, %max3A_652 : vector<512x50xf32>
    %reduce_sum3A_654 = vector.shape_cast %add3A_653 : vector<512x50xf32> to vector<1x512x50xf32>
    %reduce_sum3A_655 = arith.constant dense<0.000000e+00> : vector<1xf32>
    %reduce_sum3A_656 = vector.multi_reduction <add>, %reduce_sum3A_654, %reduce_sum3A_655 [1, 2] : vector<1x512x50xf32> to vector<1xf32>
    %reduce_sum3A_657 = vector.shape_cast %reduce_sum3A_656 : vector<1xf32> to vector<1x1x1xf32>
    %reduce_sum3A_658 = vector.extract %reduce_sum3A_657[0, 0, 0] : f32 from vector<1x1x1xf32>
    %add3A_659 = arith.addf %add3A_584, %reduce_sum3A_658 : f32
    %jit3A_660 = arith.constant 32 : i32
    %eq3A_661 = arith.constant 0 : i32
    %eq3A_662 = arith.cmpi eq, %jit3A_660, %eq3A_661 : i32
    %jit3A_663 = arith.constant 1 : i32
    %select_n3A_664 = arith.select %eq3A_662, %jit3A_663, %jit3A_660 : i32
    %rem3A_665 = vector.broadcast %select_n3A_664 : i32 to vector<160x1600xi32>
    %rem3A_666 = arith.remsi %iota3A_358, %rem3A_665 : vector<160x1600xi32>
    %ne3A_667 = arith.constant 0 : i32
    %ne3A_668 = vector.broadcast %ne3A_667 : i32 to vector<160x1600xi32>
    %ne3A_669 = arith.cmpi ne, %rem3A_666, %ne3A_668 : vector<160x1600xi32>
    %lt3A_670 = arith.constant 0 : i32
    %lt3A_671 = vector.broadcast %lt3A_670 : i32 to vector<160x1600xi32>
    %lt3A_672 = arith.cmpi slt, %rem3A_666, %lt3A_671 : vector<160x1600xi32>
    %lt3A_673 = arith.constant 0 : i32
    %lt3A_674 = arith.cmpi slt, %select_n3A_664, %lt3A_673 : i32
    %ne3A_675 = vector.broadcast %lt3A_674 : i1 to vector<160x1600xi1>
    %ne3A_676 = vector.broadcast %ne3A_675 : vector<160x1600xi1> to vector<160x1600xi1>
    %ne3A_677 = arith.xori %lt3A_672, %ne3A_676 : vector<160x1600xi1>
    %and3A_678 = arith.andi %ne3A_677, %ne3A_669 : vector<160x1600xi1>
    %add3A_679 = vector.broadcast %select_n3A_664 : i32 to vector<160x1600xi32>
    %add3A_680 = arith.addi %rem3A_666, %add3A_679 : vector<160x1600xi32>
    %select_n3A_681 = arith.select %and3A_678, %add3A_680, %rem3A_666 : vector<160x1600xi1>, vector<160x1600xi32>
    %add3A_682 = arith.constant 144 : i32
    %add3A_683 = vector.broadcast %add3A_682 : i32 to vector<160x1600xi32>
    %add3A_684 = arith.addi %add3A_683, %select_n3A_681 : vector<160x1600xi32>
    %eq3A_685 = arith.cmpi eq, %iota3A_357, %add3A_684 : vector<160x1600xi32>
    %jit3A_686 = arith.constant 32 : i32
    %eq3A_687 = arith.constant 0 : i32
    %eq3A_688 = arith.cmpi eq, %jit3A_686, %eq3A_687 : i32
    %jit3A_689 = arith.constant 1 : i32
    %select_n3A_690 = arith.select %eq3A_688, %jit3A_689, %jit3A_686 : i32
    %rem3A_691 = vector.broadcast %select_n3A_690 : i32 to vector<160x1600xi32>
    %rem3A_692 = arith.remsi %iota3A_358, %rem3A_691 : vector<160x1600xi32>
    %ne3A_693 = arith.constant 0 : i32
    %ne3A_694 = vector.broadcast %ne3A_693 : i32 to vector<160x1600xi32>
    %ne3A_695 = arith.cmpi ne, %rem3A_692, %ne3A_694 : vector<160x1600xi32>
    %lt3A_696 = arith.constant 0 : i32
    %lt3A_697 = vector.broadcast %lt3A_696 : i32 to vector<160x1600xi32>
    %lt3A_698 = arith.cmpi slt, %rem3A_692, %lt3A_697 : vector<160x1600xi32>
    %lt3A_699 = arith.constant 0 : i32
    %lt3A_700 = arith.cmpi slt, %select_n3A_690, %lt3A_699 : i32
    %ne3A_701 = vector.broadcast %lt3A_700 : i1 to vector<160x1600xi1>
    %ne3A_702 = vector.broadcast %ne3A_701 : vector<160x1600xi1> to vector<160x1600xi1>
    %ne3A_703 = arith.xori %lt3A_698, %ne3A_702 : vector<160x1600xi1>
    %and3A_704 = arith.andi %ne3A_703, %ne3A_695 : vector<160x1600xi1>
    %add3A_705 = vector.broadcast %select_n3A_690 : i32 to vector<160x1600xi32>
    %add3A_706 = arith.addi %rem3A_692, %add3A_705 : vector<160x1600xi32>
    %select_n3A_707 = arith.select %and3A_704, %add3A_706, %rem3A_692 : vector<160x1600xi1>, vector<160x1600xi32>
    %lt3A_708 = arith.constant 16 : i32
    %lt3A_709 = vector.broadcast %lt3A_708 : i32 to vector<160x1600xi32>
    %lt3A_710 = arith.cmpi slt, %select_n3A_707, %lt3A_709 : vector<160x1600xi32>
    %and3A_711 = arith.andi %eq3A_685, %lt3A_710 : vector<160x1600xi1>
    %convert_element_type3A_712 = arith.extui %and3A_711 : vector<160x1600xi1> to vector<160x1600xi32>
    %convert_element_type3A_713 = arith.sitofp %convert_element_type3A_712 : vector<160x1600xi32> to vector<160x1600xf32>
    %dot_general3A_714 = arith.constant dense<0.000000e+00> : vector<512x1600xf32>
    %dot_general3A_715 = tpu.matmul %convert_element_type3A_5, %convert_element_type3A_713, %dot_general3A_714 {dimension_numbers = #tpu.dot_dimension_numbers<[1], [0], [0], [1], [0, 0, 1, 1], [], []>, transpose_lhs_hint = false} : vector<512x160xf32>, vector<160x1600xf32>, vector<512x1600xf32> -> vector<512x1600xf32>
    %mul3A_716 = arith.mulf %convert_element_type3A, %dot_general3A_715 : vector<512x1600xf32>
    %dot_general3A_717 = arith.constant dense<0.000000e+00> : vector<512x50xf32>
    %dot_general3A_718 = tpu.matmul %mul3A_716, %convert_element_type3A_55, %dot_general3A_717 {dimension_numbers = #tpu.dot_dimension_numbers<[1], [0], [0], [1], [0, 0, 1, 1], [], []>, transpose_lhs_hint = false} : vector<512x1600xf32>, vector<1600x50xf32>, vector<512x50xf32> -> vector<512x50xf32>
    %abs3A_719 = math.absf %dot_general3A_718 : vector<512x50xf32>
    %neg3A_720 = arith.constant 0.000000e+00 : f32
    %neg3A_721 = vector.broadcast %neg3A_720 : f32 to vector<512x50xf32>
    %neg3A_722 = arith.subf %neg3A_721, %abs3A_719 : vector<512x50xf32>
    %exp3A_723 = math.exp %neg3A_722 : vector<512x50xf32>
    %log1p3A_724 = math.log1p %exp3A_723 : vector<512x50xf32>
    %max3A_725 = arith.constant 0.000000e+00 : f32
    %max3A_726 = vector.broadcast %max3A_725 : f32 to vector<512x50xf32>
    %max3A_727 = arith.maximumf %dot_general3A_718, %max3A_726 : vector<512x50xf32>
    %add3A_728 = arith.addf %log1p3A_724, %max3A_727 : vector<512x50xf32>
    %reduce_sum3A_729 = vector.shape_cast %add3A_728 : vector<512x50xf32> to vector<1x512x50xf32>
    %reduce_sum3A_730 = arith.constant dense<0.000000e+00> : vector<1xf32>
    %reduce_sum3A_731 = vector.multi_reduction <add>, %reduce_sum3A_729, %reduce_sum3A_730 [1, 2] : vector<1x512x50xf32> to vector<1xf32>
    %reduce_sum3A_732 = vector.shape_cast %reduce_sum3A_731 : vector<1xf32> to vector<1x1x1xf32>
    %reduce_sum3A_733 = vector.extract %reduce_sum3A_732[0, 0, 0] : f32 from vector<1x1x1xf32>
    %add3A_734 = arith.addf %add3A_659, %reduce_sum3A_733 : f32
    %div3A_735 = arith.constant 1.024000e+07 : f32
    %div3A_736 = arith.divf %add3A_356, %div3A_735 : f32
    %div3A_737 = arith.constant 1.024000e+06 : f32
    %div3A_738 = arith.divf %add3A_734, %div3A_737 : f32
    %add3A_739 = arith.addf %div3A_736, %div3A_738 : f32
    %eq3A_740 = arith.constant 0 : i32
    %eq3A_741 = arith.cmpi eq, %arg0, %eq3A_740 : i32
    %convert_element_type3A_742 = arith.extui %eq3A_741 : i1 to i32
    %cond3A = arith.constant 0 : i32
    %cond3A_743 = arith.cmpi ne, %convert_element_type3A_742, %cond3A : i32
    scf.if %cond3A_743 {
      %broadcast_in_dim3A = arith.constant 0.000000e+00 : f32
      %broadcast_in_dim3A_751 = vector.broadcast %broadcast_in_dim3A : f32 to vector<1x1xf32>
      %swap3A_752 = arith.constant 0 : index
      %swap3A_753 = arith.constant 0 : index
      %swap3A_754 = vector.load %arg3[%swap3A_752, %swap3A_753] : memref<1x1xf32, #tpu.memory_space<vmem>>, vector<1x1xf32>
      tpu.vector_store %arg3[%swap3A_752, %swap3A_753], %broadcast_in_dim3A_751 {strides = array<i32>} : memref<1x1xf32, #tpu.memory_space<vmem>>, vector<1x1xf32>,
    } else {
    }
    %get3A_744 = arith.constant 0 : index
    %get3A_745 = arith.constant 0 : index
    %get3A_746 = vector.load %arg3[%get3A_744, %get3A_745] : memref<1x1xf32, #tpu.memory_space<vmem>>, vector<1x1xf32>
    %add3A_747 = vector.broadcast %add3A_739 : f32 to vector<1x1xf32>
    %add3A_748 = arith.addf %get3A_746, %add3A_747 : vector<1x1xf32>
    %swap3A = arith.constant 0 : index
    %swap3A_749 = arith.constant 0 : index
    %swap3A_750 = vector.load %arg3[%swap3A, %swap3A_749] : memref<1x1xf32, #tpu.memory_space<vmem>>, vector<1x1xf32>
    tpu.vector_store %arg3[%swap3A, %swap3A_749], %add3A_748 {strides = array<i32>} : memref<1x1xf32, #tpu.memory_space<vmem>>, vector<1x1xf32>,
    return
  }
  func.func @transform_0(%arg0: i32) -> (i32, i32) {
    %c0_i32 = arith.constant 0 : i32
    %c0_i32_0 = arith.constant 0 : i32
    return %arg0, %c0_i32 : i32, i32
  }
  func.func @transform_1(%arg0: i32) -> (i32, i32) {
    %c0_i32 = arith.constant 0 : i32
    %c0_i32_0 = arith.constant 0 : i32
    return %arg0, %c0_i32 : i32, i32
  }
  func.func @transform_2(%arg0: i32) -> (i32, i32) {
    %c0_i32 = arith.constant 0 : i32
    %c0_i32_0 = arith.constant 0 : i32
    %c0_i32_1 = arith.constant 0 : i32
    return %c0_i32, %c0_i32_0 : i32, i32
  }
}

</mosaic_0001>

<sc_bundles>
// kernel: kernel.6.cloned.1.call-start
scs
__scs_entry_jumppad:
0x0: {  	(pc) =	sbr.rel $0x88, $3  }
0x1: {  	(tag) =	ssettag $0x0;
	lr =	simm.s32 $0x1  }
0x2: {  	[smem:$0x3F9D] =	sst lr;
	_ =	strace $0xD0000000  }
0x3: {  	_ = 	snop  }
0x4: {  	_ = 	snop  }
0x5: {  	_ = 	snop  }
0x6: {  	_ = 	snop  }
0x7: {  	_ = 	snop  }
__scs_overlays_trampoline_lowered:
0x8: {  	[smem:$0x3FAC] =	sst s0  }
0x9: {  	[smem:$0x3FAD] =	sst s1  }
0xa: {  	[smem:$0x3FAE] =	sst s2  }
0xb: {  	[smem:$0x3FAF] =	sst s3  }
0xc: {  	[smem:$0x3FB0] =	sst s4  }
0xd: {  	[smem:$0x3FB1] =	sst s5  }
0xe: {  	[smem:$0x3FB2] =	sst s6  }
0xf: {  	[smem:$0x3FB3] =	sst s7  }
0x10: {  	[smem:$0x3FB4] =	sst s8  }
0x11: {  	[smem:$0x3FB5] =	sst s9;
	s0 =	simm.s32 @!p0 $0x0  }
0x12: {  	s1 =	sld [smem:$0x3F9B];
	s0 =	simm.s32 @p0 $0x1  }
0x13: {  	[smem:$0x3FB6] =	sst s0;
	s0 =	simm.s32 @!p1 $0x0  }
0x14: {  	s2 =	sld [smem:$0x3F9A];
	s0 =	simm.s32 @p1 $0x1  }
0x15: {  	[smem:$0x3FB7] =	sst s0;
	s0 =	simm.s32 @!p2 $0x0  }
0x16: {  	s3 =	sld [smem:$0x3FDB];
	s0 =	simm.s32 @p2 $0x1  }
0x17: {  	s4 =	simm.s32 $0x1BF5;
	[smem:$0x3FB9] =	sst s0  }
0x18: {  	s0 =	sld [smem:$0x3F9C];
	_ =	swait.ge [sflag:s4], $0x0  }
0x19: {  	s7 =	sld [smem:$0x3F9D]  }
0x1a: {  	s8 =	sadd.s32 $0xFFFFE003, lr  }
0x1b: {  	s9 =	sadd.s32 $0xFFFFFEF7, lr;
	s5 =	simm.s32 $0xFFFFFFFF;
	p2 =	slt.u32 s8, $0xFFFFF086  }
0x1c: {  	p1 =	slt.u32 s9, $0xF7A;
	s5 =	simm.s32 @!p2 $0x0  }
0x1d: {  	s5 =	simm.s32 @p1 $0x1;
	p0 =	seq.s32 s7, s2  }
0x1e: {  	s7 =	smul.u32 @!p0 $0xF7A, s2;
	p2 =	seq.s32 @!p0 s5, $0x0  }
0x1f: {  	s9 =	smul.u32 $0xF7A, s1;
	s8 =	simm.s32 @!p0 $0x1BF5;
	p2 =	por !p2, p0  }
0x20: {  	[sflag:s8] =	ssyncset.s32 @!p0 $0xFFFFF086;
	s6 =	sadd.s32 @!p0 s3, s7;
	s7 =	simm.s32 @!p0 $0x108  }
0x21: {  	s3 =	sadd.s32 s3, s9;
	s6 =	sadd.s32 @!p0 $0x88, s6;
	s7 =	simm.s32 @p2 $0x1082  }
0x22: {  	[simem:s7], [sflag:s8] =	dma.local @!p0 [hbm:s6], $0xF7A  }
0x23: {  	s9 =	sor.u32 $0xD0000000, s2;
	s6 =	simm.s32 $0x108;
	_ =	swait.ge @!p0 [sflag:s8], $0x0  }
0x24: {  	s3 =	sadd.s32 $0x88, s3;
	s6 =	simm.s32 @!p1 $0x1082;
	[sflag:s4] =	ssyncset.s32 $0xFFFFF086  }
0x25: {  	[simem:s6], [sflag:s4] =	dma.local [hbm:s3], $0xF7A  }
0x26: {  	[smem:$0x3F9D] =	sst s1;
	(tag) =	ssettag s2;
	_ =	strace s9  }
0x27: {  	s1 =	sld [smem:$0x3FAD]  }
0x28: {  	s2 =	sld [smem:$0x3FAE]  }
0x29: {  	s4 =	sld [smem:$0x3FB0]  }
0x2a: {  	p0 =	seq.s32 s5, $0x0;
	s5 =	sld [smem:$0x3FB1]  }
0x2b: {  	s6 =	sld [smem:$0x3FB2]  }
0x2c: {  	s7 =	sld [smem:$0x3FB3]  }
0x2d: {  	s3 =	simm.s32 $0x108;
	s8 =	sld [smem:$0x3FB4]  }
0x2e: {  	s3 =	simm.s32 @!p0 $0x1082;
	s9 =	sld [smem:$0x3FB5]  }
0x2f: {  	lr =	sadd.s32 s0, s3;
	s0 =	sld [smem:$0x3FAC]  }
0x30: {  	s3 =	sld [smem:$0x3FAF]  }
0x31: {  	[smem:$0x3FB8] =	sst s10  }
0x32: {  	s10 =	sld [smem:$0x3FB6];
	_ =	sdelay $0x3  }
0x33: {  	p0 =	seq.s32 s10, $0x1;
	s10 =	sld [smem:$0x3FB8];
	_ =	sdelay $0x3  }
0x34: {  	[smem:$0x3FB8] =	sst s10  }
0x35: {  	s10 =	sld [smem:$0x3FB7];
	_ =	sdelay $0x3  }
0x36: {  	p1 =	seq.s32 s10, $0x1;
	s10 =	sld [smem:$0x3FB8];
	_ =	sdelay $0x3  }
0x37: {  	[smem:$0x3FB8] =	sst s10  }
0x38: {  	s10 =	sld [smem:$0x3FB9]  }
0x39: {  	_ = 	snop;
	(pc) =	sbr.ind lr, $3  }
0x3a: {  	_ = 	snop  }
0x3b: {  	_ = 	snop  }
0x3c: {  	p2 =	seq.s32 s10, $0x1;
	s10 =	sld [smem:$0x3FB8]  }
0x3d: {  	_ =	shalt  }
0x3e: {  	_ =	shalt  }
0x3f: {  	_ =	shalt  }
0x40: {  	_ =	shalt  }
0x41: {  	_ =	shalt  }
0x42: {  	_ =	shalt  }
0x43: {  	_ =	shalt  }
0x44: {  	_ =	shalt  }
0x45: {  	_ =	shalt  }
0x46: {  	_ =	shalt  }
0x47: {  	_ =	shalt  }
0x48: {  	_ =	shalt  }
0x49: {  	_ =	shalt  }
0x4a: {  	_ =	shalt  }
0x4b: {  	_ =	shalt  }
0x4c: {  	_ =	shalt  }
0x4d: {  	_ =	shalt  }
0x4e: {  	_ =	shalt  }
0x4f: {  	_ =	shalt  }
0x50: {  	_ =	shalt  }
0x51: {  	_ =	shalt  }
0x52: {  	_ =	shalt  }
0x53: {  	_ =	shalt  }
0x54: {  	_ =	shalt  }
0x55: {  	_ =	shalt  }
0x56: {  	_ =	shalt  }
0x57: {  	_ =	shalt  }
0x58: {  	_ =	shalt  }
0x59: {  	_ =	shalt  }
0x5a: {  	_ =	shalt  }
0x5b: {  	_ =	shalt  }
0x5c: {  	_ =	shalt  }
0x5d: {  	_ =	shalt  }
0x5e: {  	_ =	shalt  }
0x5f: {  	_ =	shalt  }
0x60: {  	_ =	shalt  }
0x61: {  	_ =	shalt  }
0x62: {  	_ =	shalt  }
0x63: {  	_ =	shalt  }
0x64: {  	_ =	shalt  }
0x65: {  	_ =	shalt  }
0x66: {  	_ =	shalt  }
0x67: {  	_ =	shalt  }
0x68: {  	_ =	shalt  }
0x69: {  	_ =	shalt  }
0x6a: {  	_ =	shalt  }
0x6b: {  	_ =	shalt  }
0x6c: {  	_ =	shalt  }
0x6d: {  	_ =	shalt  }
0x6e: {  	_ =	shalt  }
0x6f: {  	_ =	shalt  }
0x70: {  	_ =	shalt  }
0x71: {  	_ =	shalt  }
0x72: {  	_ =	shalt  }
0x73: {  	_ =	shalt  }
0x74: {  	_ =	shalt  }
0x75: {  	_ =	shalt  }
0x76: {  	_ =	shalt  }
0x77: {  	_ =	shalt  }
0x78: {  	_ =	shalt  }
0x79: {  	_ =	shalt  }
0x7a: {  	_ =	shalt  }
0x7b: {  	_ =	shalt  }
0x7c: {  	_ =	shalt  }
0x7d: {  	_ =	shalt  }
0x7e: {  	_ =	shalt  }
0x7f: {  	_ =	shalt  }
0x80: {  	_ =	shalt  }
0x81: {  	_ =	shalt  }
0x82: {  	_ =	shalt  }
0x83: {  	_ =	shalt  }
0x84: {  	_ =	shalt  }
0x85: {  	_ =	shalt  }
0x86: {  	_ =	shalt  }
0x87: {  	_ =	shalt  }
.Lfunc_end0:
.L_simem_size_0:
called_computation.2_lowered:
.L_overlay_start_0:
0x88: {  	s2 =	sld [smem:$0x3FD9]  }
0x89: {  	s3 =	sld [smem:$0x3FFE];
	_ =	sdelay $0x1  }
0x8a: {  	s1 =	srdreg.scid  }
0x8b: {  	s0 =	sand.u32 $0x1, s1  }
0x8c: {  	s17 =	sshll.u32 s0, $0xA;
	s2 =	sadd.s32 s3, s2  }
0x8d: {  	s2 =	sadd.s32 s2, s17  }
0x8e: {  	[smem:$0x3FC4] =	sst s2  }
0x8f: {  	_ = 	snop  }
0x90: {  	(tm) =	ssettm $0x1  }
0x91: {  	s18 =	sld [smem:$0x3FFB];
	_ =	sdelay $0x3  }
0x92: {  	_ =	strace s18  }
0x93: {  	s2 =	sld [smem:$0x3FFC];
	_ =	sdelay $0x3  }
0x94: {  	_ =	strace s2  }
0x95: {  	s2 =	sld [smem:$0x3FFD];
	_ =	sdelay $0x3  }
0x96: {  	_ =	strace s2  }
0x97: {  	_ =	strace $0x8FFFFFFF  }
0x98: {  	s19 =	sld [smem:$0x3FDB];
	_ =	sdelay $0x1  }
0x99: {  	s20 =	simm.s32 $_scs_section_size  }
0x9a: {  	s4 =	simm.s32 $_size__tile_overlayer_lowered;
	s5 =	simm.s32 $_tile_overlayer_lowered  }
0x9b: {  	s6 =	simm.s32 $0x1BFF;
	s21 =	sshll.u32 s5, $0x1;
	s3 =	sadd.s32 s20, s19  }
0x9c: {  	s22 =	simm.s32 $0x0;
	s4 =	sshll.u32 s4, $0x1;
	s5 =	sadd.s32 s21, s3  }
0x9d: {  	[timem:s22], [sflag:s6] =	dma.local [hbm:s5], s4  }
0x9e: {  	_ =	swait.ge [sflag:s6], s4  }
0x9f: {  	s4 =	ssub.s32 $0x0, s4;
	[sflag:s6] =	ssyncset.done $0x0  }
0xa0: {  	[sflag:s6] =	ssyncadd.s32 s4;
	_ =	sdelay $0x1  }
0xa1: {  	s23 =	simm.s32 $0x1B8B  }
0xa2: {  	_ =	swait.ge [sflag:s23], $0x1  }
0xa3: {  	[sflag:s23] =	ssyncset.done $0x0  }
0xa4: {  	[sflag:s23] =	ssyncadd.s32 $0xFFFFFFFF  }
0xa5: {  	s4 =	sld [smem:$0x0]  }
0xa6: {  	s5 =	sand.u32 $0xFFFFFFFE, s1  }
0xa7: {  	p0 =	sne.s32 s1, s5  }
0xa8: {  	s5 =	sshll.u32 @p0 s5, $0xE  }
0xa9: {  	s5 =	sadd.s32 @p0 $0x11B8D, s5;
	s6 =	sshll.u32 @p0 s4, $0x11  }
0xaa: {  	s5 =	sor.u32 @p0 s6, s5  }
0xab: {  	[sflag:s5] =	ssyncadd.remote.s32 @p0 $0x1;
	_ =	sdelay $0x1  }
0xac: {  	s5 =	simm.s32 @p0 $0x1B8D  }
0xad: {  	_ =	swait.eq @p0 [sflag:s5], $0x1  }
0xae: {  	[sflag:s5] =	ssyncadd.s32 @p0 $0xFFFFFFFF  }
0xaf: {  	s6 =	sshll.u32 @!p0 s1, $0xE  }
0xb0: {  	s6 =	sor.u32 @!p0 $0x4000, s6;
	s5 =	simm.s32 @!p0 $0x1B8D  }
0xb1: {  	s4 =	sshll.u32 @!p0 s4, $0x11;
	s6 =	sadd.s32 @!p0 $0x11B8D, s6;
	_ =	swait.eq @!p0 [sflag:s5], $0x1  }
0xb2: {  	s4 =	sor.u32 @!p0 s4, s6;
	[sflag:s5] =	ssyncadd.s32 @!p0 $0xFFFFFFFF  }
0xb3: {  	s25 =	simm.s32 $0x1B8E;
	s24 =	sld [smem:$0x3FFE];
	[sflag:s4] =	ssyncadd.remote.s32 @!p0 $0x1  }
0xb4: {  	s26 =	simm.s32 $execute0_lowered;
	[smem:$0x3FD2] =	sst s25  }
0xb5: {  	s5 =	sshll.u32 s26, $0x1;
	_ =	strace $0x8000004F;
	[dreg:$0x1] =	wrdreg $0xFFFFFFFF  }
0xb6: {  	s28 =	simm.s32 $_size_execute0_lowered;
	s3 =	sadd.s32 s3, s5;
	[dreg:$0x0] =	wrdreg $0x0  }
0xb7: {  	s5 =	sshll.u32 s28, $0x1;
	[dreg:$0x2] =	wrdreg s3  }
0xb8: {  	[dreg:$0x3] =	wrdreg s5  }
0xb9: {  	[dreg:$0x4] =	wrdreg $0xC0  }
0xba: {  	_ =	task [dreg:s22], $0x5FFFF  }
0xbb: {  	[dreg:$0x1] =	wrdreg $0xFFFFFFFF  }
0xbc: {  	[dreg:$0x0] =	wrdreg $0x60  }
0xbd: {  	[dreg:$0x2] =	wrdreg s24  }
0xbe: {  	[dreg:$0x3] =	wrdreg $0x9  }
0xbf: {  	_ =	task.clear_ibuf [dreg:s22], $0x4FFFF;
	_ =	strace $0x9000004F  }
0xc0: {  	s29 =	simm.s32 $0x9;
	_ =	strace $0x80000051  }
0xc1: {  	_ =	swait.ge [sflag:s29], $0x1  }
0xc2: {  	[sflag:s29] =	ssyncadd.s32 $0xFFFFFFFF  }
0xc3: {  	_ =	strace $0x90000051  }
0xc4: {  	_ =	sfence  }
0xc5: {  	s30 =	sld [smem:$0x0];
	_ =	sdelay $0x2  }
0xc6: {  	s31 =	sshll.u32 s1, $0xD;
	s1 =	sshrl.u32 s1, $0x2  }
0xc7: {  	s4 =	sand.u32 $0x4000, s31;
	s1 =	sadd.s32 s1, s30  }
0xc8: {  	s0 =	sor.u32 s4, s0;
	s1 =	sshll.u32 s1, $0x11  }
0xc9: {  	s0 =	sor.u32 s1, s0  }
0xca: {  	s0 =	sadd.s32 $0x8F2B, s0  }
0xcb: {  	[sflag:s0] =	ssyncadd.remote.s32 $0x1  }
0xcc: {  	_ =	sfence.sel $0xFFFF  }
0xcd: {  	[dreg:$0x0] =	wrdreg $0xFFFFFFFF;
	(pc) =	sbr.abs _section_cstart, $3  }
0xce: {  	[dreg:$0x1] =	wrdreg $0xFFFFFFFF  }
0xcf: {  	_ =	task.clear_ibuf [dreg:s22], $0x2FFFF;
	_ =	strace $0x9FFFFFFF  }
0xd0: {  	(tm) =	ssettm $0x7FFFFFFF  }
0xd1: {  	_ =	shalt  }
tec
execute0_lowered:
.L_overlay_start_1:
0x0: {  	(tag) =	ssettag $0x1  }
0x1: {  	s1 =	srdreg.scid  }
0x2: {  	s0 =	stileid.u32;
	s6 =	rddreg [dreg:$0x0]  }
0x3: {  	s2 =	simm.s32 $0x0;
	s12 =	simm.s32 $0x1;
	s13 =	simm.s32 $0xDC0  }
0x4: {  	s14 =	simm.s32 $0x40;
	s15 =	simm.s32 $0xCC0;
	s16 =	simm.s32 $0x11C0  }
0x5: {  	s17 =	simm.s32 $0xD00;
	s18 =	simm.s32 $0x15C0;
	s19 =	simm.s32 $0xD40  }
0x6: {  	s20 =	simm.s32 $0x19C0;
	s4 =	sand.u32 $0x1, s1;
	s30 =	sshll.u32 s0, $0x1  }
0x7: {  	s21 =	simm.s32 $0xD80;
	s22 =	simm.s32 $0x1DC0;
	s5 =	sor.u32 s4, s30  }
0x8: {  	s23 =	simm.s32 $0x0;
	s1 =	rddreg [dreg:$0x1];
	s7 =	smul.u32 $0x190, s5  }
0x9: {  	[smem:$0x7FF] =	sst s2;
	s4 =	ssub.s32 $0x2, s4;
	s8 =	smul.u32 $0x28, s5  }
0xa: {  	s3 =	sadd.s32 $0x2800, s6;
	s9 =	smul.u32 $0x1900, s5;
	s31 =	sshrl.u32 s4, $0x1  }
0xb: {  	_ =	strace $0x80000050;
	s5 =	smul.u32 $0x280, s5;
	s11 =	ssub.s32 s4, s31  }
0xc: {  	s7 =	sadd.s32 s7, s6;
	s8 =	sadd.s32 s8, s6;
	s9 =	sadd.s32 s9, s6  }
0xd: {  	s10 =	sadd.s32 s5, s6;
	s4 =	sadd.s32 $0x221E00, s7;
	s5 =	sadd.s32 $0x225000, s8  }
0xe: {  	s6 =	sadd.s32 $0x225600, s9;
	s7 =	sadd.s32 $0x257600, s10;
	s8 =	smax.u32 s11, $0x1  }
0xf: {  	s9 =	simm.s32 $0x2;
	s10 =	simm.s32 $0xC80;
	s11 =	simm.s32 $0x80  }
.LBB2_1:
0x10: {  	[tilespmem:s2], [sflag:$0x2] =	stream.linear.gather [hbm4b:s4+s2], $0xC80, $0x38;
	[tilespmem:$0xD5C0] =	vst v63  }
0x11: {  	_ =	swait.ge [sflag:s9], $0xC80  }
0x12: {  	[sflag:s9] =	ssyncset.done $0x0  }
0x13: {  	[sflag:s9] =	ssyncadd.s32 $0xFFFFF380  }
0x14: {  	[tilespmem:s10], [sflag:$0x2] =	stream.linear.gather [hbm4b:s5+s2], $0x140, $0x38;
	[tilespmem:$0xD5C0] =	vst v63  }
0x15: {  	_ =	swait.ge [sflag:s9], $0x140  }
0x16: {  	p0 =	por $0x1, $0x1;
	[sflag:s9] =	ssyncset.done $0x0  }
0x17: {  	s28 =	simm.s32 @!p0 $0x1;
	[sflag:s9] =	ssyncadd.s32 $0xFFFFFEC0  }
0x18: {  	[tilespmem:s13], [sflag:$0x1] =	stream.indirect.gather [hbm4b:s3+s11], $0x10, s2, s11, $0xb8;
	[tilespmem:$0xD5C0] =	vst v63  }
0x19: {  	s24 =	simm.s32 $0x1;
	_ =	swait.ge @!p0 [sflag:s28], $0x800  }
0x1a: {  	s25 =	simm.s32 $0x15C0;
	s26 =	simm.s32 $0x0;
	[sflag:s28] =	ssyncset.done @!p0 $0x0  }
.LBB2_2:
0x1b: {  	[sflag:s28] =	ssyncadd.s32 @!p0 $0xFFFFF800  }
0x1c: {  	s26 =	sadd.s32 $0x80, s26;
	s28 =	smov.u32 s24;
	s24 =	sadd.s32 $0x1, s24  }
0x1d: {  	p1 =	sne.s32 s24, $0x19  }
0x1e: {  	[tilespmem:s25], [sflag:$0x1] =	stream.indirect.gather [hbm4b:s3+s11], $0x10, s26, s11, $0xb8;
	[tilespmem:$0xD5C0] =	vst v63  }
.Ltmp0:
0x1f: {  	_ = 	snop;
	(pc) =	sbr.rel @p1 .LBB2_2-.Ltmp0, $4  }
0x20: {  	p0 =	slt.u32 s28, $0x10  }
0x21: {  	s28 =	simm.s32 @!p0 $0x1  }
0x22: {  	_ =	swait.ge @!p0 [sflag:s28], $0x800  }
0x23: {  	s25 =	sadd.s32 $0x800, s25;
	[sflag:s28] =	ssyncset.done @!p0 $0x0  }
0x24: {  	[sflag:s28] =	ssyncadd.s32 @!p0 $0xFFFFF800  }
0x25: {  	_ =	swait.ge [sflag:s12], $0x8000  }
0x26: {  	[sflag:s12] =	ssyncset.done $0x0  }
0x27: {  	[sflag:s12] =	ssyncadd.s32 $0xFFFF8000  }
0x28: {  	[hbm4b:s6+s2] =	stream.linear.scatter [tilespmem:s13], [sflag:$0x2], $0xC800, $0x38;
	[tilespmem:$0xD5C0] =	vst v63  }
0x29: {  	_ =	swait.ge [sflag:s9], $0xC800  }
0x2a: {  	[sflag:s9] =	ssyncset.done $0x0  }
0x2b: {  	[sflag:s9] =	ssyncadd.s32 $0xFFFF3800  }
0x2c: {  	[tilespmem:s13], [sflag:$0x1] =	stream.indirect.gather [hbm4b:s3+s14], $0x10, s10, s14, $0xb8;
	[tilespmem:$0xD5C0] =	vst v63  }
0x2d: {  	_ = 	snop  }
0x2e: {  	[tilespmem:s16], [sflag:$0x1] =	stream.indirect.gather [hbm4b:s3+s14], $0x10, s15, s14, $0xb8;
	[tilespmem:$0xD5C0] =	vst v63  }
0x2f: {  	_ = 	snop  }
0x30: {  	[tilespmem:s18], [sflag:$0x1] =	stream.indirect.gather [hbm4b:s3+s14], $0x10, s17, s14, $0xb8;
	[tilespmem:$0xD5C0] =	vst v63  }
0x31: {  	_ = 	snop  }
0x32: {  	[tilespmem:s20], [sflag:$0x1] =	stream.indirect.gather [hbm4b:s3+s14], $0x10, s19, s14, $0xb8;
	[tilespmem:$0xD5C0] =	vst v63  }
0x33: {  	_ = 	snop  }
0x34: {  	[tilespmem:s22], [sflag:$0x1] =	stream.indirect.gather [hbm4b:s3+s14], $0x10, s21, s14, $0xb8;
	[tilespmem:$0xD5C0] =	vst v63  }
0x35: {  	s23 =	sadd.s32 $0x1, s23;
	_ =	swait.ge [sflag:s12], $0x1400  }
0x36: {  	p0 =	sne.s32 s23, s8;
	[sflag:s12] =	ssyncset.done $0x0  }
.Ltmp1:
0x37: {  	[sflag:s12] =	ssyncadd.s32 $0xFFFFEC00;
	(pc) =	sbr.rel @p0 .LBB2_1-.Ltmp1, $4  }
0x38: {  	[hbm4b:s7+s2] =	stream.linear.scatter [tilespmem:s13], [sflag:$0x2], $0x1400, $0x38;
	[tilespmem:$0xD5C0] =	vst v63  }
0x39: {  	_ =	swait.ge [sflag:s9], $0x1400  }
0x3a: {  	[sflag:s9] =	ssyncset.done $0x0  }
0x3b: {  	[sflag:s9] =	ssyncadd.s32 $0xFFFFEC00  }
0x3c: {  	_ =	sfence.sel $0x180000  }
0x3d: {  	[bflag:$0x0] =	sbarrier.arrive $0xFFFF  }
0x3e: {  	p0 =	sne.s32 s0, $0x0;
	_ =	strace $0x90000050  }
0x3f: {  	s0 =	sadd.s32 @!p0 $0x100000, s1;
	[bflag:$0x2] =	sbarrier.arrive $0xFFFF  }
0x40: {  	[sflag:s0] =	ssyncadd.tile.s32 @!p0 $0x1;
	_ =	shalt  }
.Lfunc_end2:
_tile_overlayer_lowered:
.L_overlay_start_2:
0x41: {  	(tag) =	ssettag $0x2  }
0x42: {  	s0 =	rddreg [dreg:$0x0];
	s2 =	stileid.u32  }
0x43: {  	s1 =	rddreg [dreg:$0x1];
	p0 =	sne.s32 s2, $0x0  }
0x44: {  	s3 =	rddreg [dreg:$0x2];
	[bflag:$0x3] =	sbarrier.arrive $0xFFFF;
	s2 =	simm.s32 @!p0 $0x1C02  }
0x45: {  	[timem:s3], [sflag:s2] =	dma.local @!p0 [hbm:s0], s1  }
0x46: {  	s0 =	simm.s32 @!p0 $0x2  }
0x47: {  	_ =	swait.ge @!p0 [sflag:s0], s1  }
0x48: {  	s1 =	ssub.s32 @!p0 $0x0, s1;
	[sflag:s0] =	ssyncset.done @!p0 $0x0  }
0x49: {  	[sflag:s0] =	ssyncadd.s32 @!p0 s1  }
0x4a: {  	[bflag:$0x3] =	sbarrier.arrive $0xFFFF  }
0x4b: {  	_ =	shalt  }

// kernel: kernel.9.cloned.1.call-start
scs
__scs_entry_jumppad:
0x0: {  	(pc) =	sbr.rel $0x88, $3  }
0x1: {  	(tag) =	ssettag $0x0;
	lr =	simm.s32 $0x1  }
0x2: {  	[smem:$0x3F9D] =	sst lr;
	_ =	strace $0xD0000000  }
0x3: {  	_ = 	snop  }
0x4: {  	_ = 	snop  }
0x5: {  	_ = 	snop  }
0x6: {  	_ = 	snop  }
0x7: {  	_ = 	snop  }
__scs_overlays_trampoline_lowered:
0x8: {  	[smem:$0x3FAC] =	sst s0  }
0x9: {  	[smem:$0x3FAD] =	sst s1  }
0xa: {  	[smem:$0x3FAE] =	sst s2  }
0xb: {  	[smem:$0x3FAF] =	sst s3  }
0xc: {  	[smem:$0x3FB0] =	sst s4  }
0xd: {  	[smem:$0x3FB1] =	sst s5  }
0xe: {  	[smem:$0x3FB2] =	sst s6  }
0xf: {  	[smem:$0x3FB3] =	sst s7  }
0x10: {  	[smem:$0x3FB4] =	sst s8  }
0x11: {  	[smem:$0x3FB5] =	sst s9;
	s0 =	simm.s32 @!p0 $0x0  }
0x12: {  	s1 =	sld [smem:$0x3F9B];
	s0 =	simm.s32 @p0 $0x1  }
0x13: {  	[smem:$0x3FB6] =	sst s0;
	s0 =	simm.s32 @!p1 $0x0  }
0x14: {  	s2 =	sld [smem:$0x3F9A];
	s0 =	simm.s32 @p1 $0x1  }
0x15: {  	[smem:$0x3FB7] =	sst s0;
	s0 =	simm.s32 @!p2 $0x0  }
0x16: {  	s3 =	sld [smem:$0x3FDB];
	s0 =	simm.s32 @p2 $0x1  }
0x17: {  	s4 =	simm.s32 $0x1BF5;
	[smem:$0x3FB9] =	sst s0  }
0x18: {  	s0 =	sld [smem:$0x3F9C];
	_ =	swait.ge [sflag:s4], $0x0  }
0x19: {  	s7 =	sld [smem:$0x3F9D]  }
0x1a: {  	s8 =	sadd.s32 $0xFFFFE003, lr  }
0x1b: {  	s9 =	sadd.s32 $0xFFFFFEF7, lr;
	s5 =	simm.s32 $0xFFFFFFFF;
	p2 =	slt.u32 s8, $0xFFFFF086  }
0x1c: {  	p1 =	slt.u32 s9, $0xF7A;
	s5 =	simm.s32 @!p2 $0x0  }
0x1d: {  	s5 =	simm.s32 @p1 $0x1;
	p0 =	seq.s32 s7, s2  }
0x1e: {  	s7 =	smul.u32 @!p0 $0xF7A, s2;
	p2 =	seq.s32 @!p0 s5, $0x0  }
0x1f: {  	s9 =	smul.u32 $0xF7A, s1;
	s8 =	simm.s32 @!p0 $0x1BF5;
	p2 =	por !p2, p0  }
0x20: {  	[sflag:s8] =	ssyncset.s32 @!p0 $0xFFFFF086;
	s6 =	sadd.s32 @!p0 s3, s7;
	s7 =	simm.s32 @!p0 $0x108  }
0x21: {  	s3 =	sadd.s32 s3, s9;
	s6 =	sadd.s32 @!p0 $0x88, s6;
	s7 =	simm.s32 @p2 $0x1082  }
0x22: {  	[simem:s7], [sflag:s8] =	dma.local @!p0 [hbm:s6], $0xF7A  }
0x23: {  	s9 =	sor.u32 $0xD0000000, s2;
	s6 =	simm.s32 $0x108;
	_ =	swait.ge @!p0 [sflag:s8], $0x0  }
0x24: {  	s3 =	sadd.s32 $0x88, s3;
	s6 =	simm.s32 @!p1 $0x1082;
	[sflag:s4] =	ssyncset.s32 $0xFFFFF086  }
0x25: {  	[simem:s6], [sflag:s4] =	dma.local [hbm:s3], $0xF7A  }
0x26: {  	[smem:$0x3F9D] =	sst s1;
	(tag) =	ssettag s2;
	_ =	strace s9  }
0x27: {  	s1 =	sld [smem:$0x3FAD]  }
0x28: {  	s2 =	sld [smem:$0x3FAE]  }
0x29: {  	s4 =	sld [smem:$0x3FB0]  }
0x2a: {  	p0 =	seq.s32 s5, $0x0;
	s5 =	sld [smem:$0x3FB1]  }
0x2b: {  	s6 =	sld [smem:$0x3FB2]  }
0x2c: {  	s7 =	sld [smem:$0x3FB3]  }
0x2d: {  	s3 =	simm.s32 $0x108;
	s8 =	sld [smem:$0x3FB4]  }
0x2e: {  	s3 =	simm.s32 @!p0 $0x1082;
	s9 =	sld [smem:$0x3FB5]  }
0x2f: {  	lr =	sadd.s32 s0, s3;
	s0 =	sld [smem:$0x3FAC]  }
0x30: {  	s3 =	sld [smem:$0x3FAF]  }
0x31: {  	[smem:$0x3FB8] =	sst s10  }
0x32: {  	s10 =	sld [smem:$0x3FB6];
	_ =	sdelay $0x3  }
0x33: {  	p0 =	seq.s32 s10, $0x1;
	s10 =	sld [smem:$0x3FB8];
	_ =	sdelay $0x3  }
0x34: {  	[smem:$0x3FB8] =	sst s10  }
0x35: {  	s10 =	sld [smem:$0x3FB7];
	_ =	sdelay $0x3  }
0x36: {  	p1 =	seq.s32 s10, $0x1;
	s10 =	sld [smem:$0x3FB8];
	_ =	sdelay $0x3  }
0x37: {  	[smem:$0x3FB8] =	sst s10  }
0x38: {  	s10 =	sld [smem:$0x3FB9]  }
0x39: {  	_ = 	snop;
	(pc) =	sbr.ind lr, $3  }
0x3a: {  	_ = 	snop  }
0x3b: {  	_ = 	snop  }
0x3c: {  	p2 =	seq.s32 s10, $0x1;
	s10 =	sld [smem:$0x3FB8]  }
0x3d: {  	_ =	shalt  }
0x3e: {  	_ =	shalt  }
0x3f: {  	_ =	shalt  }
0x40: {  	_ =	shalt  }
0x41: {  	_ =	shalt  }
0x42: {  	_ =	shalt  }
0x43: {  	_ =	shalt  }
0x44: {  	_ =	shalt  }
0x45: {  	_ =	shalt  }
0x46: {  	_ =	shalt  }
0x47: {  	_ =	shalt  }
0x48: {  	_ =	shalt  }
0x49: {  	_ =	shalt  }
0x4a: {  	_ =	shalt  }
0x4b: {  	_ =	shalt  }
0x4c: {  	_ =	shalt  }
0x4d: {  	_ =	shalt  }
0x4e: {  	_ =	shalt  }
0x4f: {  	_ =	shalt  }
0x50: {  	_ =	shalt  }
0x51: {  	_ =	shalt  }
0x52: {  	_ =	shalt  }
0x53: {  	_ =	shalt  }
0x54: {  	_ =	shalt  }
0x55: {  	_ =	shalt  }
0x56: {  	_ =	shalt  }
0x57: {  	_ =	shalt  }
0x58: {  	_ =	shalt  }
0x59: {  	_ =	shalt  }
0x5a: {  	_ =	shalt  }
0x5b: {  	_ =	shalt  }
0x5c: {  	_ =	shalt  }
0x5d: {  	_ =	shalt  }
0x5e: {  	_ =	shalt  }
0x5f: {  	_ =	shalt  }
0x60: {  	_ =	shalt  }
0x61: {  	_ =	shalt  }
0x62: {  	_ =	shalt  }
0x63: {  	_ =	shalt  }
0x64: {  	_ =	shalt  }
0x65: {  	_ =	shalt  }
0x66: {  	_ =	shalt  }
0x67: {  	_ =	shalt  }
0x68: {  	_ =	shalt  }
0x69: {  	_ =	shalt  }
0x6a: {  	_ =	shalt  }
0x6b: {  	_ =	shalt  }
0x6c: {  	_ =	shalt  }
0x6d: {  	_ =	shalt  }
0x6e: {  	_ =	shalt  }
0x6f: {  	_ =	shalt  }
0x70: {  	_ =	shalt  }
0x71: {  	_ =	shalt  }
0x72: {  	_ =	shalt  }
0x73: {  	_ =	shalt  }
0x74: {  	_ =	shalt  }
0x75: {  	_ =	shalt  }
0x76: {  	_ =	shalt  }
0x77: {  	_ =	shalt  }
0x78: {  	_ =	shalt  }
0x79: {  	_ =	shalt  }
0x7a: {  	_ =	shalt  }
0x7b: {  	_ =	shalt  }
0x7c: {  	_ =	shalt  }
0x7d: {  	_ =	shalt  }
0x7e: {  	_ =	shalt  }
0x7f: {  	_ =	shalt  }
0x80: {  	_ =	shalt  }
0x81: {  	_ =	shalt  }
0x82: {  	_ =	shalt  }
0x83: {  	_ =	shalt  }
0x84: {  	_ =	shalt  }
0x85: {  	_ =	shalt  }
0x86: {  	_ =	shalt  }
0x87: {  	_ =	shalt  }
.Lfunc_end0:
.L_simem_size_0:
called_computation.3_lowered:
.L_overlay_start_0:
0x88: {  	s2 =	sld [smem:$0x3FD9]  }
0x89: {  	s3 =	sld [smem:$0x3FFE];
	_ =	sdelay $0x1  }
0x8a: {  	s1 =	srdreg.scid  }
0x8b: {  	s0 =	sand.u32 $0x1, s1  }
0x8c: {  	s16 =	sshll.u32 s0, $0xA;
	s2 =	sadd.s32 s3, s2  }
0x8d: {  	s2 =	sadd.s32 s2, s16  }
0x8e: {  	[smem:$0x3FC4] =	sst s2  }
0x8f: {  	_ = 	snop  }
0x90: {  	(tm) =	ssettm $0x1  }
0x91: {  	s17 =	sld [smem:$0x3FFB];
	_ =	sdelay $0x3  }
0x92: {  	_ =	strace s17  }
0x93: {  	s2 =	sld [smem:$0x3FFC];
	_ =	sdelay $0x3  }
0x94: {  	_ =	strace s2  }
0x95: {  	s2 =	sld [smem:$0x3FFD];
	_ =	sdelay $0x3  }
0x96: {  	_ =	strace s2  }
0x97: {  	_ =	strace $0x8FFFFFFF  }
0x98: {  	s18 =	sld [smem:$0x3FDB];
	_ =	sdelay $0x1  }
0x99: {  	s19 =	simm.s32 $_scs_section_size  }
0x9a: {  	s4 =	simm.s32 $_size__tile_overlayer_lowered;
	s5 =	simm.s32 $_tile_overlayer_lowered  }
0x9b: {  	s22 =	simm.s32 $0x1BFF;
	s21 =	sshll.u32 s5, $0x1;
	s2 =	sadd.s32 s19, s18  }
0x9c: {  	s6 =	simm.s32 $0x0;
	s20 =	sshll.u32 s4, $0x1;
	s4 =	sadd.s32 s21, s2  }
0x9d: {  	[timem:s6], [sflag:s22] =	dma.local [hbm:s4], s20  }
0x9e: {  	_ =	swait.ge [sflag:s22], s20  }
0x9f: {  	s3 =	ssub.s32 $0x0, s20;
	[sflag:s22] =	ssyncset.done $0x0  }
0xa0: {  	[sflag:s22] =	ssyncadd.s32 s3;
	_ =	sdelay $0x1  }
0xa1: {  	s23 =	simm.s32 $0x1B8B  }
0xa2: {  	_ =	swait.ge [sflag:s23], $0x1  }
0xa3: {  	[sflag:s23] =	ssyncset.done $0x0  }
0xa4: {  	s25 =	simm.s32 $0x1B8E;
	s24 =	sld [smem:$0x3FFE];
	[sflag:s23] =	ssyncadd.s32 $0xFFFFFFFF  }
0xa5: {  	s26 =	simm.s32 $execute0_lowered;
	[smem:$0x3FD2] =	sst s25  }
0xa6: {  	s4 =	sshll.u32 s26, $0x1;
	_ =	strace $0x8000004C;
	[dreg:$0x1] =	wrdreg $0xFFFFFFFF  }
0xa7: {  	s28 =	simm.s32 $_size_execute0_lowered;
	s2 =	sadd.s32 s2, s4;
	[dreg:$0x0] =	wrdreg $0x0  }
0xa8: {  	s4 =	sshll.u32 s28, $0x1;
	[dreg:$0x2] =	wrdreg s2  }
0xa9: {  	[dreg:$0x3] =	wrdreg s4  }
0xaa: {  	[dreg:$0x4] =	wrdreg $0xC0  }
0xab: {  	_ =	task [dreg:s6], $0x5FFFF  }
0xac: {  	[dreg:$0x1] =	wrdreg $0xFFFFFFFF  }
0xad: {  	[dreg:$0x0] =	wrdreg $0x60  }
0xae: {  	[dreg:$0x2] =	wrdreg s24  }
0xaf: {  	[dreg:$0x3] =	wrdreg $0xA  }
0xb0: {  	_ =	task.clear_ibuf [dreg:s6], $0x4FFFF;
	_ =	strace $0x9000004C  }
0xb1: {  	s29 =	simm.s32 $0xA;
	_ =	strace $0x8000004E  }
0xb2: {  	_ =	swait.ge [sflag:s29], $0x1  }
0xb3: {  	[sflag:s29] =	ssyncadd.s32 $0xFFFFFFFF  }
0xb4: {  	_ =	strace $0x9000004E  }
0xb5: {  	_ =	sfence  }
0xb6: {  	s30 =	sld [smem:$0x0];
	_ =	sdelay $0x2  }
0xb7: {  	s31 =	sshll.u32 s1, $0xD;
	s1 =	sshrl.u32 s1, $0x2  }
0xb8: {  	s3 =	sand.u32 $0x4000, s31;
	s1 =	sadd.s32 s1, s30  }
0xb9: {  	s0 =	sor.u32 s3, s0;
	s1 =	sshll.u32 s1, $0x11  }
0xba: {  	s0 =	sor.u32 s1, s0  }
0xbb: {  	s0 =	sadd.s32 $0x8F2B, s0  }
0xbc: {  	[sflag:s0] =	ssyncadd.remote.s32 $0x1  }
0xbd: {  	_ =	sfence.sel $0xFFFF  }
0xbe: {  	[dreg:$0x0] =	wrdreg $0xFFFFFFFF;
	(pc) =	sbr.abs _section_cstart, $3  }
0xbf: {  	[dreg:$0x1] =	wrdreg $0xFFFFFFFF  }
0xc0: {  	_ =	task.clear_ibuf [dreg:s6], $0x2FFFF;
	_ =	strace $0x9FFFFFFF  }
0xc1: {  	(tm) =	ssettm $0x7FFFFFFF  }
tec
execute0_lowered:
.L_overlay_start_1:
0x0: {  	(tag) =	ssettag $0x1  }
0x1: {  	s1 =	srdreg.scid  }
0x2: {  	s0 =	stileid.u32;
	s6 =	rddreg [dreg:$0x0]  }
0x3: {  	s2 =	simm.s32 $0x0;
	s12 =	simm.s32 $0x1;
	s13 =	simm.s32 $0xDC0  }
0x4: {  	s14 =	simm.s32 $0x40;
	s15 =	simm.s32 $0xCC0;
	s16 =	simm.s32 $0x11C0  }
0x5: {  	s17 =	simm.s32 $0xD00;
	s18 =	simm.s32 $0x15C0;
	s19 =	simm.s32 $0xD40  }
0x6: {  	s20 =	simm.s32 $0x19C0;
	s4 =	sand.u32 $0x1, s1;
	s30 =	sshll.u32 s0, $0x1  }
0x7: {  	s21 =	simm.s32 $0xD80;
	s22 =	simm.s32 $0x1DC0;
	s5 =	sor.u32 s4, s30  }
0x8: {  	s23 =	simm.s32 $0x0;
	s1 =	rddreg [dreg:$0x1];
	s7 =	smul.u32 $0x190, s5  }
0x9: {  	[smem:$0x7FF] =	sst s2;
	s4 =	ssub.s32 $0x2, s4;
	s8 =	smul.u32 $0x28, s5  }
0xa: {  	s3 =	sadd.s32 $0x2800, s6;
	s9 =	smul.u32 $0x1900, s5;
	s31 =	sshrl.u32 s4, $0x1  }
0xb: {  	_ =	strace $0x8000004D;
	s5 =	smul.u32 $0x280, s5;
	s11 =	ssub.s32 s4, s31  }
0xc: {  	s7 =	sadd.s32 s7, s6;
	s8 =	sadd.s32 s8, s6;
	s9 =	sadd.s32 s9, s6  }
0xd: {  	s10 =	sadd.s32 s5, s6;
	s4 =	sadd.s32 $0x3D3400, s7;
	s5 =	sadd.s32 $0x3D6600, s8  }
0xe: {  	s6 =	sadd.s32 $0x1EAE00, s9;
	s7 =	sadd.s32 $0x21CE00, s10;
	s8 =	smax.u32 s11, $0x1  }
0xf: {  	s9 =	simm.s32 $0x2;
	s10 =	simm.s32 $0xC80;
	s11 =	simm.s32 $0x80  }
.LBB2_1:
0x10: {  	[tilespmem:s2], [sflag:$0x2] =	stream.linear.gather [hbm4b:s4+s2], $0xC80, $0x38;
	[tilespmem:$0xD5C0] =	vst v63  }
0x11: {  	_ =	swait.ge [sflag:s9], $0xC80  }
0x12: {  	[sflag:s9] =	ssyncset.done $0x0  }
0x13: {  	[sflag:s9] =	ssyncadd.s32 $0xFFFFF380  }
0x14: {  	[tilespmem:s10], [sflag:$0x2] =	stream.linear.gather [hbm4b:s5+s2], $0x140, $0x38;
	[tilespmem:$0xD5C0] =	vst v63  }
0x15: {  	_ =	swait.ge [sflag:s9], $0x140  }
0x16: {  	p0 =	por $0x1, $0x1;
	[sflag:s9] =	ssyncset.done $0x0  }
0x17: {  	s28 =	simm.s32 @!p0 $0x1;
	[sflag:s9] =	ssyncadd.s32 $0xFFFFFEC0  }
0x18: {  	[tilespmem:s13], [sflag:$0x1] =	stream.indirect.gather [hbm4b:s3+s11], $0x10, s2, s11, $0xb8;
	[tilespmem:$0xD5C0] =	vst v63  }
0x19: {  	s24 =	simm.s32 $0x1;
	_ =	swait.ge @!p0 [sflag:s28], $0x800  }
0x1a: {  	s25 =	simm.s32 $0x15C0;
	s26 =	simm.s32 $0x0;
	[sflag:s28] =	ssyncset.done @!p0 $0x0  }
.LBB2_2:
0x1b: {  	[sflag:s28] =	ssyncadd.s32 @!p0 $0xFFFFF800  }
0x1c: {  	s26 =	sadd.s32 $0x80, s26;
	s28 =	smov.u32 s24;
	s24 =	sadd.s32 $0x1, s24  }
0x1d: {  	p1 =	sne.s32 s24, $0x19  }
0x1e: {  	[tilespmem:s25], [sflag:$0x1] =	stream.indirect.gather [hbm4b:s3+s11], $0x10, s26, s11, $0xb8;
	[tilespmem:$0xD5C0] =	vst v63  }
.Ltmp0:
0x1f: {  	_ = 	snop;
	(pc) =	sbr.rel @p1 .LBB2_2-.Ltmp0, $4  }
0x20: {  	p0 =	slt.u32 s28, $0x10  }
0x21: {  	s28 =	simm.s32 @!p0 $0x1  }
0x22: {  	_ =	swait.ge @!p0 [sflag:s28], $0x800  }
0x23: {  	s25 =	sadd.s32 $0x800, s25;
	[sflag:s28] =	ssyncset.done @!p0 $0x0  }
0x24: {  	[sflag:s28] =	ssyncadd.s32 @!p0 $0xFFFFF800  }
0x25: {  	_ =	swait.ge [sflag:s12], $0x8000  }
0x26: {  	[sflag:s12] =	ssyncset.done $0x0  }
0x27: {  	[sflag:s12] =	ssyncadd.s32 $0xFFFF8000  }
0x28: {  	[hbm4b:s6+s2] =	stream.linear.scatter [tilespmem:s13], [sflag:$0x2], $0xC800, $0x38;
	[tilespmem:$0xD5C0] =	vst v63  }
0x29: {  	_ =	swait.ge [sflag:s9], $0xC800  }
0x2a: {  	[sflag:s9] =	ssyncset.done $0x0  }
0x2b: {  	[sflag:s9] =	ssyncadd.s32 $0xFFFF3800  }
0x2c: {  	[tilespmem:s13], [sflag:$0x1] =	stream.indirect.gather [hbm4b:s3+s14], $0x10, s10, s14, $0xb8;
	[tilespmem:$0xD5C0] =	vst v63  }
0x2d: {  	_ = 	snop  }
0x2e: {  	[tilespmem:s16], [sflag:$0x1] =	stream.indirect.gather [hbm4b:s3+s14], $0x10, s15, s14, $0xb8;
	[tilespmem:$0xD5C0] =	vst v63  }
0x2f: {  	_ = 	snop  }
0x30: {  	[tilespmem:s18], [sflag:$0x1] =	stream.indirect.gather [hbm4b:s3+s14], $0x10, s17, s14, $0xb8;
	[tilespmem:$0xD5C0] =	vst v63  }
0x31: {  	_ = 	snop  }
0x32: {  	[tilespmem:s20], [sflag:$0x1] =	stream.indirect.gather [hbm4b:s3+s14], $0x10, s19, s14, $0xb8;
	[tilespmem:$0xD5C0] =	vst v63  }
0x33: {  	_ = 	snop  }
0x34: {  	[tilespmem:s22], [sflag:$0x1] =	stream.indirect.gather [hbm4b:s3+s14], $0x10, s21, s14, $0xb8;
	[tilespmem:$0xD5C0] =	vst v63  }
0x35: {  	s23 =	sadd.s32 $0x1, s23;
	_ =	swait.ge [sflag:s12], $0x1400  }
0x36: {  	p0 =	sne.s32 s23, s8;
	[sflag:s12] =	ssyncset.done $0x0  }
.Ltmp1:
0x37: {  	[sflag:s12] =	ssyncadd.s32 $0xFFFFEC00;
	(pc) =	sbr.rel @p0 .LBB2_1-.Ltmp1, $4  }
0x38: {  	[hbm4b:s7+s2] =	stream.linear.scatter [tilespmem:s13], [sflag:$0x2], $0x1400, $0x38;
	[tilespmem:$0xD5C0] =	vst v63  }
0x39: {  	_ =	swait.ge [sflag:s9], $0x1400  }
0x3a: {  	[sflag:s9] =	ssyncset.done $0x0  }
0x3b: {  	[sflag:s9] =	ssyncadd.s32 $0xFFFFEC00  }
0x3c: {  	_ =	sfence.sel $0x180000  }
0x3d: {  	[bflag:$0x0] =	sbarrier.arrive $0xFFFF  }
0x3e: {  	p0 =	sne.s32 s0, $0x0;
	_ =	strace $0x9000004D  }
0x3f: {  	s0 =	sadd.s32 @!p0 $0x100000, s1;
	[bflag:$0x2] =	sbarrier.arrive $0xFFFF  }
0x40: {  	[sflag:s0] =	ssyncadd.tile.s32 @!p0 $0x1;
	_ =	shalt  }
.Lfunc_end2:
_tile_overlayer_lowered:
.L_overlay_start_2:
0x41: {  	(tag) =	ssettag $0x2  }
0x42: {  	s0 =	rddreg [dreg:$0x0];
	s2 =	stileid.u32  }
0x43: {  	s1 =	rddreg [dreg:$0x1];
	p0 =	sne.s32 s2, $0x0  }
0x44: {  	s3 =	rddreg [dreg:$0x2];
	[bflag:$0x3] =	sbarrier.arrive $0xFFFF;
	s2 =	simm.s32 @!p0 $0x1C02  }
0x45: {  	[timem:s3], [sflag:s2] =	dma.local @!p0 [hbm:s0], s1  }
0x46: {  	s0 =	simm.s32 @!p0 $0x2  }
0x47: {  	_ =	swait.ge @!p0 [sflag:s0], s1  }
0x48: {  	s1 =	ssub.s32 @!p0 $0x0, s1;
	[sflag:s0] =	ssyncset.done @!p0 $0x0  }
0x49: {  	[sflag:s0] =	ssyncadd.s32 @!p0 s1  }
0x4a: {  	[bflag:$0x3] =	sbarrier.arrive $0xFFFF  }
0x4b: {  	_ =	shalt  }

// kernel: sparse-core-data-format-call.1.cloned.1.call-start
scs
called_computation.1_lowered:
.L_overlay_start_0:
0x0: {  	s1 =	sld [smem:$0x3FD9]  }
0x1: {  	s2 =	sld [smem:$0x3FFE];
	_ =	sdelay $0x1  }
0x2: {  	s3 =	srdreg.scid  }
0x3: {  	s0 =	sand.u32 $0x1, s3  }
0x4: {  	s17 =	sshll.u32 s0, $0xA;
	s1 =	sadd.s32 s2, s1  }
0x5: {  	s1 =	sadd.s32 s1, s17  }
0x6: {  	[smem:$0x3FC4] =	sst s1  }
0x7: {  	_ = 	snop  }
0x8: {  	(tm) =	ssettm $0x1  }
0x9: {  	s18 =	sld [smem:$0x3FFB];
	_ =	sdelay $0x3  }
0xa: {  	_ =	strace s18  }
0xb: {  	s1 =	sld [smem:$0x3FFC];
	_ =	sdelay $0x3  }
0xc: {  	_ =	strace s1  }
0xd: {  	s1 =	sld [smem:$0x3FFD];
	_ =	sdelay $0x3  }
0xe: {  	_ =	strace s1  }
0xf: {  	_ =	strace $0x8FFFFFFF  }
0x10: {  	s19 =	sld [smem:$0x3FDB];
	_ =	sdelay $0x1  }
0x11: {  	s20 =	simm.s32 $_scs_section_size  }
0x12: {  	s4 =	simm.s32 $_size__tile_overlayer_lowered;
	s5 =	simm.s32 $_tile_overlayer_lowered  }
0x13: {  	s23 =	simm.s32 $0x1BFF;
	s22 =	sshll.u32 s5, $0x1;
	s1 =	sadd.s32 s20, s19  }
0x14: {  	s6 =	simm.s32 $0x0;
	s21 =	sshll.u32 s4, $0x1;
	s4 =	sadd.s32 s22, s1  }
0x15: {  	[timem:s6], [sflag:s23] =	dma.local [hbm:s4], s21  }
0x16: {  	_ =	swait.ge [sflag:s23], s21  }
0x17: {  	s2 =	ssub.s32 $0x0, s21;
	[sflag:s23] =	ssyncset.done $0x0  }
0x18: {  	[sflag:s23] =	ssyncadd.s32 s2;
	_ =	sdelay $0x1  }
0x19: {  	s24 =	simm.s32 $0x1B8B  }
0x1a: {  	_ =	swait.ge [sflag:s24], $0x1  }
0x1b: {  	[sflag:s24] =	ssyncset.done $0x0  }
0x1c: {  	s26 =	simm.s32 $0x1B8E;
	s25 =	sld [smem:$0x3FFE];
	[sflag:s24] =	ssyncadd.s32 $0xFFFFFFFF  }
0x1d: {  	s27 =	simm.s32 $execute0_lowered;
	[smem:$0x3FD2] =	sst s26  }
0x1e: {  	s4 =	sshll.u32 s27, $0x1;
	_ =	strace $0x80000046;
	[dreg:$0x1] =	wrdreg $0xFFFFFFFF  }
0x1f: {  	s28 =	simm.s32 $_size_execute0_lowered;
	s1 =	sadd.s32 s1, s4;
	[dreg:$0x0] =	wrdreg $0x0  }
0x20: {  	s4 =	sshll.u32 s28, $0x1;
	[dreg:$0x2] =	wrdreg s1  }
0x21: {  	[dreg:$0x3] =	wrdreg s4  }
0x22: {  	[dreg:$0x4] =	wrdreg $0xC0  }
0x23: {  	_ =	task [dreg:s6], $0x5FFFF  }
0x24: {  	[dreg:$0x1] =	wrdreg $0xFFFFFFFF  }
0x25: {  	[dreg:$0x0] =	wrdreg $0x60  }
0x26: {  	[dreg:$0x2] =	wrdreg s25  }
0x27: {  	[dreg:$0x3] =	wrdreg $0x9  }
0x28: {  	_ =	task.clear_ibuf [dreg:s6], $0x4FFFF;
	_ =	strace $0x90000046  }
0x29: {  	s29 =	simm.s32 $0x9;
	_ =	strace $0x80000048  }
0x2a: {  	_ =	swait.ge [sflag:s29], $0x1  }
0x2b: {  	[sflag:s29] =	ssyncadd.s32 $0xFFFFFFFF  }
0x2c: {  	_ =	strace $0x90000048  }
0x2d: {  	_ =	sfence  }
0x2e: {  	s30 =	sld [smem:$0x0];
	_ =	sdelay $0x2  }
0x2f: {  	s31 =	sshll.u32 s3, $0xD;
	s3 =	sshrl.u32 s3, $0x2  }
0x30: {  	s2 =	sand.u32 $0x4000, s31;
	s1 =	sadd.s32 s3, s30  }
0x31: {  	s0 =	sor.u32 s2, s0;
	s1 =	sshll.u32 s1, $0x11  }
0x32: {  	s0 =	sor.u32 s1, s0  }
0x33: {  	s0 =	sadd.s32 $0x8F2B, s0  }
0x34: {  	[sflag:s0] =	ssyncadd.remote.s32 $0x1  }
0x35: {  	_ =	sfence.sel $0xFFFF  }
0x36: {  	[dreg:$0x0] =	wrdreg $0xFFFFFFFF;
	(pc) =	sbr.abs _section_cstart, $3  }
0x37: {  	[dreg:$0x1] =	wrdreg $0xFFFFFFFF  }
0x38: {  	_ =	task.clear_ibuf [dreg:s6], $0x2FFFF;
	_ =	strace $0x9FFFFFFF  }
0x39: {  	(tm) =	ssettm $0x7FFFFFFF  }
tec
execute0_lowered:
.L_overlay_start_1:
0x0: {  	(tag) =	ssettag $0x1  }
0x1: {  	s0 =	srdreg.scid  }
0x2: {  	s5 =	rddreg [dreg:$0x0];
	s1 =	stileid.u32;
	s4 =	simm.s32 $0x1  }
0x3: {  	s6 =	simm.s32 $0x2;
	s15 =	simm.s32 $0x0;
	p0 =	por $0x0, $0x0  }
0x4: {  	s8 =	simm.s32 $0x80;
	s14 =	simm.s32 $0x0;
	s2 =	sshll.u32 s0, $0x4  }
0x5: {  	s9 =	simm.s32 $0x0;
	s10 =	simm.s32 $0x0;
	s2 =	sand.u32 $0x10, s2  }
.Ltmp0:
0x6: {  	s12 =	simm.s32 $0x0;
	s3 =	sor.u32 s1, s2;
	(pc) =	sbr.rel .LBB1_1-.Ltmp0, $4  }
0x7: {  	s0 =	rddreg [dreg:$0x1];
	_ =	strace $0x80000047;
	s3 =	sshll.u32 s3, $0x7  }
0x8: {  	s13 =	simm.s32 $0x0;
	[sflag:s4] =	ssyncpa.u1 $0x0;
	s7 =	ssub.s32 $0xF4200, s3  }
0x9: {  	s2 =	sadd.s32 $0xF6C00, s5;
	[sflag:s6] =	ssyncpa.u1 $0x0;
	s6 =	sshrl.u32 s7, $0xC  }
0xa: {  	s5 =	sadd.s32 $0x2DF200, s5;
	s11 =	smov.u32 s3;
	s7 =	sadd.s32 $0x2, s6  }
.LBB1_5:
0xb: {  	p1 =	slt.u32 s13, $0x2  }
0xc: {  	s17 =	smov.u32 s15;
	p2 =	sgt.s32 @!p1 s15, $0xF41C0;
	s16 =	sshra.s32 @!p1 s15, $0x1F  }
0xd: {  	p3 =	sgt.s32 @!p1 s14, $0x60;
	s18 =	sshra.s32 @!p1 s14, $0x1F;
	p2 =	por !p2, p1  }
0xe: {  	s15 =	sand.u32 @!p1 s16, s15;
	p3 =	por !p3, p1;
	s16 =	smov.u32 s14  }
0xf: {  	s14 =	sand.u32 @!p1 s18, s14;
	s17 =	simm.s32 @p2 $0xF41C0;
	s16 =	simm.s32 @p3 $0x60  }
0x10: {  	s15 =	ssub.s32 @!p1 s17, s15;
	s14 =	ssub.s32 @!p1 s16, s14  }
0x11: {  	s18 =	smov.u32 s12;
	s16 =	sadd.s32 @!p1 $0xFFF0BE40, s15;
	s17 =	sadd.s32 @!p1 $0xFFFFFFA0, s14  }
0x12: {  	s15 =	ssub.s32 @!p1 $0xF4240, s15;
	p2 =	sgt.s32 @!p1 s16, $0x7F;
	p3 =	sgt.s32 @!p1 s17, $0x1F  }
0x13: {  	s14 =	ssub.s32 @!p1 $0x80, s14;
	p2 =	por !p2, p1;
	p3 =	por !p3, p1  }
0x14: {  	s16 =	sadd.s32 $0x1000, s11;
	s15 =	simm.s32 @!p2 $0x0;
	s14 =	simm.s32 @!p3 $0x0  }
0x15: {  	p2 =	sgt.s32 s16, $0xF423F;
	s14 =	smul.u32 @!p1 s14, s15;
	s15 =	sadd.s32 $0x20, s12  }
0x16: {  	s18 =	smov.u32 @p2 s15  }
0x17: {  	s16 =	smov.u32 @p2 s3;
	p2 =	sgt.s32 s18, $0x1F  }
0x18: {  	p0 =	por !p0, !p0;
	s18 =	simm.s32 @p2 $0x0;
	p2 =	sne.s32 s13, s7  }
.Ltmp1:
0x19: {  	s17 =	simm.s32 @!p1 $0x2;
	s14 =	sshrl.u32 @!p1 s14, $0x1;
	(pc) =	sbr.rel @!p2 .LBB1_6-.Ltmp1, $4  }
0x1a: {  	s15 =	smov.u32 s9;
	s9 =	smov.u32 s11;
	s14 =	sand.u32 @!p1 $0x3FFFFFFF, s14  }
0x1b: {  	s11 =	smov.u32 s16;
	s13 =	sadd.s32 $0x1, s13;
	_ =	swait.ge @!p1 [sflag:s17], s14  }
0x1c: {  	s19 =	ssub.s32 @!p1 $0x0, s14;
	s14 =	smov.u32 s10;
	[sflag:s17] =	ssyncset.done @!p1 $0x0  }
0x1d: {  	s10 =	smov.u32 s12;
	s12 =	smov.u32 s18;
	[sflag:s17] =	ssyncadd.s32 @!p1 s19  }
.LBB1_1:
0x1e: {  	p1 =	sgt.u32 s13, s6  }
0x1f: {  	s16 =	sshrl.u32 @!p1 s12, $0x3  }
0x20: {  	s17 =	sshll.u32 @!p1 s11, $0x3;
	s16 =	smul.u32 @!p1 $0x7A1400, s16  }
0x21: {  	s18 =	sshll.u32 @!p1 s12, $0x7;
	s17 =	sand.u32 @!p1 $0xFFFFFC00, s17  }
0x22: {  	s16 =	sadd.s32 @!p1 s16, s17;
	s17 =	sand.u32 @!p1 $0x300, s18;
	s18 =	sshll.u32 @!p1 s11, $0x1  }
0x23: {  	s16 =	sor.u32 @!p1 s17, s16;
	s17 =	sand.u32 @!p1 $0xFE, s18  }
0x24: {  	s18 =	sand.u32 @!p1 $0x1, s12;
	s16 =	sor.u32 @!p1 s17, s16  }
0x25: {  	s17 =	sor.u32 @!p1 s18, s16  }
0x26: {  	s18 =	smulhi.u32 @!p1 $0x218D6287, s17;
	_ =	sdelay $0x1  }
0x27: {  	s16 =	smulhi.u32 @!p1 $0x218D6287, s16;
	s18 =	sshrl.u32 @!p1 s18, $0x11  }
0x28: {  	s18 =	smul.u32 @!p1 $0xF4280, s18  }
0x29: {  	s16 =	sshrl.u32 @!p1 s16, $0x11  }
0x2a: {  	s16 =	sand.u32 @!p1 $0x1F, s16;
	s17 =	ssub.s32 @!p1 s17, s18  }
0x2b: {  	s16 =	smul.u32 @!p1 $0xF428, s16;
	s18 =	sshrl.u32 @!p1 s17, $0x4  }
0x2c: {  	s19 =	sxor.u32 @!p1 $0xFFFFFFFF, s13;
	s17 =	sshll.u32 @!p1 s17, $0x11;
	s18 =	sadd.s32 @!p1 s2, s18  }
0x2d: {  	s17 =	sand.u32 @!p1 $0x1C0000, s17;
	s16 =	sadd.s32 @!p1 s16, s18;
	s18 =	sshll.u32 @!p1 s19, $0xB  }
0x2e: {  	s17 =	sor.u32 @!p1 $0x200, s17;
	s19 =	simm.s32 @!p1 $0x3D0A00;
	s18 =	sand.u32 @!p1 $0x800, s18  }
0x2f: {  	[tilespmem:s18], [sflag:$0x1] =	stream.strided.gather @!p1 [hbm4b:s16+s17], $0x800, s19, s17, $0x38;
	[tilespmem:$0x2080] =	vst v63  }
0x30: {  	p1 =	seq.s32 s13, $0x0  }
0x31: {  	p2 =	sge.u32 @!p1 s13, s7  }
0x32: {  	p1 =	por p1, p2  }
.Ltmp2:
0x33: {  	_ = 	snop;
	(pc) =	sbr.rel @p1 .LBB1_5-.Ltmp2, $1  }
0x34: {  	_ =	sdelay $0x3  }
0x35: {  	s16 =	simm.s32 $0x1  }
0x36: {  	_ =	swait.ge [sflag:s4], $0x800;
	s16 =	simm.s32 @!p0 $0x0  }
0x37: {  	[sflag:s4] =	ssyncset.done $0x0;
	s16 =	sshll.u32 s16, $0xB  }
0x38: {  	[sflag:s4] =	ssyncadd.s32 $0xFFFFF800;
	s16 =	sor.u32 $0x40, s16  }
0x39: {  	v0 =	vld [tilespmem:s16+$0x20]  }
0x3a: {  	v1 =	vld [tilespmem:s16+$0x30]  }
0x3b: {  	v2 =	vld [tilespmem:s16+$0xFFFFFFD0]  }
0x3c: {  	v5 =	vld [tilespmem:s16+$0x0]  }
0x3d: {  	v6 =	vld [tilespmem:s16+$0x10]  }
0x3e: {  	s17 =	sand.u32 $0x1, s13;
	v3 =	vld [tilespmem:s16+$0xFFFFFFE0]  }
0x3f: {  	s17 =	smul.u32 $0x2100, s17;
	v4 =	vld [tilespmem:s16+$0xFFFFFFF0]  }
0x40: {  	s18 =	simm.s32 $0x0;
	v1 =	vperm.xlane.i2c.b16 v1  }
0x41: {  	s19 =	sand.u32 $0x1C, s18;
	s17 =	sshrl.u32 s17, $0x2;
	v8 =	vld [tilespmem:s16+$0xFFFFFFC0];
	s20 =	sadd.s32 $0x80, s16;
	v7 =	vperm.xlane.i2c.b16 v0;
	v0 =	vperm.xlane.i2c.b16 v2  }
0x42: {  	s30 =	sand.u32 $0x20, s18;
	s31 =	sshrl.u32 s19, $0x1;
	s16 =	sor.u32 $0x1000, s17;
	v11 =	vld [tilespmem:s20+$0x30];
	v10 =	vperm.xlane.i2c.b16 v5;
	v13 =	vperm.xlane.i2c.b16 v6  }
0x43: {  	s17 =	sshrl.u32 s30, $0x1;
	s18 =	sadd.s32 s31, s16;
	v2 =	vld [tilespmem:s20+$0x20];
	v3 =	vperm.xlane.i2c.b16 v3;
	v9 =	vcombine.low v7, v1  }
0x44: {  	v12 =	vld [tilespmem:s20+$0xFFFFFFD0];
	s17 =	sadd.s32 s17, s18;
	v4 =	vperm.xlane.i2c.b16 v4;
	v14 =	vcombine.low v10, v13  }
0x45: {  	v1 =	vcombine.high v7, v1;
	v7 =	vld [tilespmem:s20+$0xFFFFFFE0];
	[tilespmem:s17+$0x630 ss:$0x21] =	vst.msk $0xffff, v9  }
0x46: {  	v6 =	vld [tilespmem:s20+$0xFFFFFFF0];
	v5 =	vperm.xlane.i2c.b16 v8;
	v9 =	vcombine.low v3, v4;
	[tilespmem:s17+$0x420 ss:$0x21] =	vst.msk $0xffff, v14  }
0x47: {  	s18 =	simm.s32 $0x4;
	v8 =	vperm.xlane.i2c.b16 v11;
	[tilespmem:s17+$0x631 ss:$0x21] =	vst.msk $0xffff, v1;
	v1 =	vcombine.high v3, v4;
	v4 =	vld [tilespmem:s20+$0x0]  }
0x48: {  	s19 =	simm.s32 $0x2;
	s22 =	sand.u32 $0x1C, s18;
	v10 =	vcombine.high v10, v13;
	v3 =	vld [tilespmem:s20+$0x10];
	[tilespmem:s17+$0x210 ss:$0x21] =	vst.msk $0xffff, v9;
	v9 =	vperm.xlane.i2c.b16 v2  }
0x49: {  	s21 =	sand.u32 $0x20, s18;
	s22 =	sshrl.u32 s22, $0x1;
	v11 =	vcombine.low v5, v0;
	v2 =	vld [tilespmem:s20+$0xFFFFFFC0];
	s20 =	sadd.s32 $0x80, s20;
	[tilespmem:s17+$0x211 ss:$0x21] =	vst.msk $0xffff, v1;
	v1 =	vperm.xlane.i2c.b16 v12  }
.LBB1_3:
0x4a: {  	v12 =	vld [tilespmem:s20+$0x20];
	s22 =	sadd.s32 s22, s16;
	s21 =	sshrl.u32 s21, $0x1;
	v13 =	vperm.xlane.i2c.b16 v7;
	v7 =	vcombine.low v9, v8;
	[tilespmem:s17+$0x421 ss:$0x21] =	vst.msk $0xffff, v10  }
0x4b: {  	s19 =	sadd.s32 $0x2, s19;
	v14 =	vld [tilespmem:s20+$0x30];
	s21 =	sadd.s32 s21, s22;
	v10 =	vperm.xlane.i2c.b16 v6;
	v6 =	vcombine.high v9, v8;
	[tilespmem:s17+$0x0 ss:$0x21] =	vst.msk $0xffff, v11  }
0x4c: {  	p1 =	slt.u32 s19, $0x1E;
	v11 =	vld [tilespmem:s20+$0xFFFFFFD0];
	v8 =	vperm.xlane.i2c.b16 v4;
	[tilespmem:s21+$0x630 ss:$0x21] =	vst.msk $0xffff, v7;
	v4 =	vcombine.high v5, v0;
	v0 =	vmov v1  }
.Ltmp3:
0x4d: {  	v7 =	vld [tilespmem:s20+$0xFFFFFFE0];
	v1 =	vcombine.low v13, v10;
	v3 =	vperm.xlane.i2c.b16 v3;
	[tilespmem:s21+$0x631 ss:$0x21] =	vst.msk $0xffff, v6;
	(pc) =	sbr.rel @p1 .LBB1_3-.Ltmp3, $4  }
0x4e: {  	v6 =	vld [tilespmem:s20+$0xFFFFFFF0];
	v5 =	vperm.xlane.i2c.b16 v2;
	v2 =	vcombine.high v13, v10;
	[tilespmem:s17+$0x1 ss:$0x21] =	vst.msk $0xffff, v4;
	s17 =	smov.u32 s21  }
0x4f: {  	s18 =	sadd.s32 $0x4, s18;
	v4 =	vld [tilespmem:s20+$0x0];
	[tilespmem:s17+$0x210 ss:$0x21] =	vst.msk $0xffff, v1;
	v13 =	vcombine.low v8, v3;
	v10 =	vcombine.high v8, v3  }
0x50: {  	s22 =	sand.u32 $0x1C, s18;
	v9 =	vperm.xlane.i2c.b16 v12;
	v3 =	vld [tilespmem:s20+$0x10];
	v8 =	vperm.xlane.i2c.b16 v14;
	[tilespmem:s17+$0x211 ss:$0x21] =	vst.msk $0xffff, v2  }
0x51: {  	s22 =	sshrl.u32 s22, $0x1;
	s21 =	sand.u32 $0x20, s18;
	v2 =	vld [tilespmem:s20+$0xFFFFFFC0];
	v1 =	vperm.xlane.i2c.b16 v11;
	s20 =	sadd.s32 $0x80, s20;
	v11 =	vcombine.low v5, v0;
	[tilespmem:s17+$0x420 ss:$0x21] =	vst.msk $0xffff, v13  }
0x52: {  	s18 =	sadd.s32 s22, s16;
	s19 =	sshll.u32 s9, $0x7;
	s20 =	sshll.u32 s10, $0x3  }
0x53: {  	s21 =	sshrl.u32 s21, $0x1;
	s24 =	sshll.u32 s10, $0x1;
	p1 =	sgt.s32 s9, $0xF41C0  }
0x54: {  	s22 =	smov.u32 s9;
	s26 =	sshra.s32 s9, $0x1F;
	s23 =	sand.u32 $0xFFFFFC00, s19  }
0x55: {  	s20 =	sand.u32 $0xFFFFFC00, s20;
	s19 =	sand.u32 $0x300, s19;
	s25 =	sand.u32 $0x80, s24  }
0x56: {  	s18 =	sadd.s32 s21, s18;
	s22 =	simm.s32 @!p1 $0xF41C0;
	p1 =	sgt.s32 s10, $0x60  }
0x57: {  	s21 =	smov.u32 s10;
	s20 =	sadd.s32 s20, s23;
	s23 =	sshra.s32 s10, $0x1F  }
0x58: {  	s21 =	simm.s32 @!p1 $0x60;
	s19 =	sor.u32 s19, s20;
	s20 =	sand.u32 s26, s9  }
0x59: {  	v7 =	vperm.xlane.i2c.b16 v7;
	[tilespmem:s17+$0x421 ss:$0x21] =	vst.msk $0xffff, v10;
	v0 =	vcombine.high v5, v0;
	s23 =	sand.u32 s23, s10;
	s19 =	sor.u32 s25, s19;
	s20 =	ssub.s32 s22, s20  }
0x5a: {  	v57 =	vcombine.low v9, v8;
	v6 =	vperm.xlane.i2c.b16 v6;
	[tilespmem:s17+$0x0 ss:$0x21] =	vst.msk $0xffff, v11;
	s21 =	ssub.s32 s21, s23;
	s19 =	sshrl.u32 s19, $0x7;
	s22 =	sadd.s32 $0xFFF0BE40, s20  }
0x5b: {  	v58 =	vcombine.high v9, v8;
	v4 =	vperm.xlane.i2c.b16 v4;
	[tilespmem:s17+$0x1 ss:$0x21] =	vst.msk $0xffff, v0;
	s23 =	sadd.s32 $0xFFFFFFA0, s21;
	s20 =	ssub.s32 $0xF4240, s20;
	s21 =	ssub.s32 $0x80, s21  }
0x5c: {  	[tilespmem:s18+$0x630 ss:$0x21] =	vst.msk $0xffff, v57;
	v59 =	vcombine.low v7, v6;
	v3 =	vperm.xlane.i2c.b16 v3;
	s27 =	smulhi.u32 $0x218DEF5, s19;
	p1 =	sgt.s32 s22, $0x7F;
	p2 =	sgt.s32 s23, $0x1F  }
0x5d: {  	[tilespmem:s18+$0x631 ss:$0x21] =	vst.msk $0xffff, v58;
	v60 =	vcombine.high v7, v6;
	s20 =	simm.s32 @p1 $0x0;
	s21 =	simm.s32 @p2 $0x0  }
0x5e: {  	v2 =	vperm.xlane.i2c.b16 v2;
	[tilespmem:s18+$0x210 ss:$0x21] =	vst.msk $0xffff, v59;
	v61 =	vcombine.low v4, v3;
	s17 =	sshrl.u32 s27, $0xD;
	s20 =	smul.u32 s21, s20  }
0x5f: {  	v3 =	vcombine.high v4, v3;
	[tilespmem:s18+$0x211 ss:$0x21] =	vst.msk $0xffff, v60;
	s17 =	smul.u32 $0xF4240, s17  }
.Ltmp4:
0x60: {  	s28 =	sshrl.u32 s10, $0x3;
	s29 =	sand.u32 $0x7, s10;
	v62 =	vcombine.low v2, v1;
	[tilespmem:s18+$0x420 ss:$0x21] =	vst.msk $0xffff, v61;
	(pc) =	sbr.rel .LBB1_5-.Ltmp4, $4  }
0x61: {  	v63 =	vcombine.high v2, v1;
	[tilespmem:s18+$0x421 ss:$0x21] =	vst.msk $0xffff, v3;
	s21 =	sshll.u32 s29, $0x12;
	s17 =	ssub.s32 s19, s17;
	s19 =	sand.u32 $0x7, s28  }
0x62: {  	[tilespmem:s18+$0x0 ss:$0x21] =	vst.msk $0xffff, v62;
	s20 =	sshrl.u32 s20, $0x1;
	s17 =	sshll.u32 s17, $0x3;
	s19 =	sadd.s32 s5, s19  }
0x63: {  	[tilespmem:s18+$0x1 ss:$0x21] =	vst.msk $0xffff, v63;
	s31 =	sor.u32 $0x20, s21;
	s30 =	sand.u32 $0x3FFFFFFF, s20;
	s17 =	sadd.s32 s17, s19  }
0x64: {  	[hbm4b:s17+s31] =	stream.strided.scatter [tilespmem:s16], [sflag:$0x2], s30, s8, s31, $0x10;
	[tilespmem:$0x2080] =	vst v63  }
.LBB1_6:
0x65: {  	_ =	sfence.sel $0x180000  }
0x66: {  	s2 =	simm.s32 $0x1;
	[bflag:$0x0] =	sbarrier.arrive $0xFFFF  }
0x67: {  	s31 =	simm.s32 $0x2;
	[sflag:s2] =	ssyncpa.u1 $0x1  }
0x68: {  	[sflag:s31] =	ssyncpa.u1 $0x1  }
0x69: {  	p0 =	sne.s32 s1, $0x0;
	_ =	strace $0x90000047  }
0x6a: {  	s0 =	sadd.s32 @!p0 $0x100000, s0;
	[bflag:$0x2] =	sbarrier.arrive $0xFFFF  }
0x6b: {  	[sflag:s0] =	ssyncadd.tile.s32 @!p0 $0x1;
	_ =	shalt  }
.Lfunc_end1:
_tile_overlayer_lowered:
.L_overlay_start_2:
0x6c: {  	(tag) =	ssettag $0x2  }
0x6d: {  	s0 =	rddreg [dreg:$0x0];
	s2 =	stileid.u32  }
0x6e: {  	s1 =	rddreg [dreg:$0x1];
	p0 =	sne.s32 s2, $0x0  }
0x6f: {  	s3 =	rddreg [dreg:$0x2];
	[bflag:$0x3] =	sbarrier.arrive $0xFFFF;
	s2 =	simm.s32 @!p0 $0x1C01  }
0x70: {  	[timem:s3], [sflag:s2] =	dma.local @!p0 [hbm:s0], s1  }
0x71: {  	s0 =	simm.s32 @!p0 $0x1  }
0x72: {  	_ =	swait.ge @!p0 [sflag:s0], s1  }
0x73: {  	s1 =	ssub.s32 @!p0 $0x0, s1;
	[sflag:s0] =	ssyncset.done @!p0 $0x0  }
0x74: {  	[sflag:s0] =	ssyncadd.s32 @!p0 s1  }
0x75: {  	[bflag:$0x3] =	sbarrier.arrive $0xFFFF  }
0x76: {  	_ =	shalt  }

// kernel: sparse-core-data-format-call.cloned.1.call-start
scs
called_computation_lowered:
.L_overlay_start_0:
0x0: {  	s1 =	sld [smem:$0x3FD9]  }
0x1: {  	s2 =	sld [smem:$0x3FFE];
	_ =	sdelay $0x1  }
0x2: {  	s3 =	srdreg.scid  }
0x3: {  	s0 =	sand.u32 $0x1, s3  }
0x4: {  	s17 =	sshll.u32 s0, $0xA;
	s1 =	sadd.s32 s2, s1  }
0x5: {  	s1 =	sadd.s32 s1, s17  }
0x6: {  	[smem:$0x3FC4] =	sst s1  }
0x7: {  	_ = 	snop  }
0x8: {  	(tm) =	ssettm $0x1  }
0x9: {  	s18 =	sld [smem:$0x3FFB];
	_ =	sdelay $0x3  }
0xa: {  	_ =	strace s18  }
0xb: {  	s1 =	sld [smem:$0x3FFC];
	_ =	sdelay $0x3  }
0xc: {  	_ =	strace s1  }
0xd: {  	s1 =	sld [smem:$0x3FFD];
	_ =	sdelay $0x3  }
0xe: {  	_ =	strace s1  }
0xf: {  	_ =	strace $0x8FFFFFFF  }
0x10: {  	s19 =	sld [smem:$0x3FDB];
	_ =	sdelay $0x1  }
0x11: {  	s20 =	simm.s32 $_scs_section_size  }
0x12: {  	s4 =	simm.s32 $_size__tile_overlayer_lowered;
	s5 =	simm.s32 $_tile_overlayer_lowered  }
0x13: {  	s23 =	simm.s32 $0x1BFF;
	s22 =	sshll.u32 s5, $0x1;
	s1 =	sadd.s32 s20, s19  }
0x14: {  	s6 =	simm.s32 $0x0;
	s21 =	sshll.u32 s4, $0x1;
	s4 =	sadd.s32 s22, s1  }
0x15: {  	[timem:s6], [sflag:s23] =	dma.local [hbm:s4], s21  }
0x16: {  	_ =	swait.ge [sflag:s23], s21  }
0x17: {  	s2 =	ssub.s32 $0x0, s21;
	[sflag:s23] =	ssyncset.done $0x0  }
0x18: {  	[sflag:s23] =	ssyncadd.s32 s2;
	_ =	sdelay $0x1  }
0x19: {  	s24 =	simm.s32 $0x1B8B  }
0x1a: {  	_ =	swait.ge [sflag:s24], $0x1  }
0x1b: {  	[sflag:s24] =	ssyncset.done $0x0  }
0x1c: {  	s26 =	simm.s32 $0x1B8E;
	s25 =	sld [smem:$0x3FFE];
	[sflag:s24] =	ssyncadd.s32 $0xFFFFFFFF  }
0x1d: {  	s27 =	simm.s32 $execute0_lowered;
	[smem:$0x3FD2] =	sst s26  }
0x1e: {  	s4 =	sshll.u32 s27, $0x1;
	_ =	strace $0x80000049;
	[dreg:$0x1] =	wrdreg $0xFFFFFFFF  }
0x1f: {  	s28 =	simm.s32 $_size_execute0_lowered;
	s1 =	sadd.s32 s1, s4;
	[dreg:$0x0] =	wrdreg $0x0  }
0x20: {  	s4 =	sshll.u32 s28, $0x1;
	[dreg:$0x2] =	wrdreg s1  }
0x21: {  	[dreg:$0x3] =	wrdreg s4  }
0x22: {  	[dreg:$0x4] =	wrdreg $0xC0  }
0x23: {  	_ =	task [dreg:s6], $0x5FFFF  }
0x24: {  	[dreg:$0x1] =	wrdreg $0xFFFFFFFF  }
0x25: {  	[dreg:$0x0] =	wrdreg $0x60  }
0x26: {  	[dreg:$0x2] =	wrdreg s25  }
0x27: {  	[dreg:$0x3] =	wrdreg $0x9  }
0x28: {  	_ =	task.clear_ibuf [dreg:s6], $0x4FFFF;
	_ =	strace $0x90000049  }
0x29: {  	s29 =	simm.s32 $0x9;
	_ =	strace $0x8000004B  }
0x2a: {  	_ =	swait.ge [sflag:s29], $0x1  }
0x2b: {  	[sflag:s29] =	ssyncadd.s32 $0xFFFFFFFF  }
0x2c: {  	_ =	strace $0x9000004B  }
0x2d: {  	_ =	sfence  }
0x2e: {  	s30 =	sld [smem:$0x0];
	_ =	sdelay $0x2  }
0x2f: {  	s31 =	sshll.u32 s3, $0xD;
	s3 =	sshrl.u32 s3, $0x2  }
0x30: {  	s2 =	sand.u32 $0x4000, s31;
	s1 =	sadd.s32 s3, s30  }
0x31: {  	s0 =	sor.u32 s2, s0;
	s1 =	sshll.u32 s1, $0x11  }
0x32: {  	s0 =	sor.u32 s1, s0  }
0x33: {  	s0 =	sadd.s32 $0x8F2B, s0  }
0x34: {  	[sflag:s0] =	ssyncadd.remote.s32 $0x1  }
0x35: {  	_ =	sfence.sel $0xFFFF  }
0x36: {  	[dreg:$0x0] =	wrdreg $0xFFFFFFFF;
	(pc) =	sbr.abs _section_cstart, $3  }
0x37: {  	[dreg:$0x1] =	wrdreg $0xFFFFFFFF  }
0x38: {  	_ =	task.clear_ibuf [dreg:s6], $0x2FFFF;
	_ =	strace $0x9FFFFFFF  }
0x39: {  	(tm) =	ssettm $0x7FFFFFFF  }
tec
execute0_lowered:
.L_overlay_start_1:
0x0: {  	(tag) =	ssettag $0x1  }
0x1: {  	s0 =	srdreg.scid  }
0x2: {  	s5 =	rddreg [dreg:$0x0];
	s1 =	stileid.u32;
	s4 =	simm.s32 $0x1  }
0x3: {  	s6 =	simm.s32 $0x2;
	s8 =	simm.s32 $0x0;
	s2 =	sshll.u32 s0, $0x4  }
0x4: {  	s9 =	simm.s32 $0x0;
	s13 =	simm.s32 $0x0;
	s2 =	sand.u32 $0x10, s2  }
.Ltmp0:
0x5: {  	s10 =	simm.s32 $0x0;
	s3 =	sor.u32 s1, s2;
	(pc) =	sbr.rel .LBB1_1-.Ltmp0, $4  }
0x6: {  	s0 =	rddreg [dreg:$0x1];
	_ =	strace $0x8000004A;
	s3 =	sshll.u32 s3, $0x4  }
0x7: {  	s12 =	simm.s32 $0x0;
	[sflag:s4] =	ssyncpa.u1 $0x0;
	s7 =	ssub.s32 $0x3D00, s3  }
0x8: {  	s2 =	sadd.s32 $0x1EAE00, s5;
	[sflag:s6] =	ssyncpa.u1 $0x0;
	s6 =	sshrl.u32 s7, $0x9  }
0x9: {  	s5 =	sadd.s32 $0x2800, s5;
	s11 =	smov.u32 s3;
	s7 =	sadd.s32 $0x2, s6  }
.LBB1_7:
0xa: {  	s15 =	sshll.u32 s12, $0xF  }
0xb: {  	s15 =	sand.u32 $0x8000, s15  }
0xc: {  	s16 =	sshll.u32 s10, $0x7;
	s15 =	sshrl.u32 s15, $0x1  }
0xd: {  	s16 =	sadd.s32 s5, s16;
	s15 =	sor.u32 $0x8000, s15  }
0xe: {  	[hbm4b:s16+s8] =	stream.linear.scatter [tilespmem:s15], [sflag:$0x2], s14, $0x38;
	[tilespmem:$0x10000] =	vst v63  }
.LBB1_8:
0xf: {  	p0 =	slt.u32 s12, $0x2  }
0x10: {  	p1 =	sgt.s32 @!p0 s13, $0x3CF9  }
0x11: {  	s14 =	smov.u32 s13;
	s15 =	sshra.s32 @!p0 s13, $0x1F;
	p1 =	por !p1, p0  }
0x12: {  	s13 =	sand.u32 @!p0 s15, s13;
	s14 =	simm.s32 @p1 $0x3CF9  }
0x13: {  	s13 =	ssub.s32 @!p0 s14, s13  }
0x14: {  	s13 =	sadd.s32 @!p0 $0xFFFFC307, s13  }
0x15: {  	s14 =	sshll.u32 @!p0 s13, $0xC  }
0x16: {  	p1 =	sgt.s32 @!p0 s13, $0xF;
	s13 =	ssub.s32 @!p0 $0x10000, s14  }
0x17: {  	s15 =	sadd.s32 $0x200, s11;
	p1 =	por !p1, p0;
	s13 =	sshrl.u32 @!p0 s13, $0x2  }
0x18: {  	s13 =	simm.s32 @!p1 $0x0;
	p1 =	sgt.s32 s15, $0x3D08  }
0x19: {  	s15 =	smov.u32 @p1 s3;
	p1 =	sne.s32 s12, s7  }
.Ltmp1:
0x1a: {  	_ = 	snop;
	(pc) =	sbr.rel @!p1 .LBB1_9-.Ltmp1, $4  }
0x1b: {  	s14 =	simm.s32 @!p0 $0x2  }
0x1c: {  	s9 =	sadd.s32 $0x8000, s9;
	_ =	swait.ge @!p0 [sflag:s14], s13;
	s16 =	ssub.s32 @!p0 $0x0, s13  }
0x1d: {  	s13 =	smov.u32 s10;
	s12 =	sadd.s32 $0x1, s12;
	[sflag:s14] =	ssyncset.done @!p0 $0x0  }
0x1e: {  	s10 =	smov.u32 s11;
	s11 =	smov.u32 s15;
	[sflag:s14] =	ssyncadd.s32 @!p0 s16  }
.LBB1_1:
0x1f: {  	p0 =	sgt.u32 s12, s6  }
0x20: {  	p1 =	sgt.s32 @!p0 s11, $0x3CF9  }
0x21: {  	s14 =	smov.u32 s11;
	s15 =	sshra.s32 @!p0 s11, $0x1F;
	p1 =	por !p1, p0  }
0x22: {  	s15 =	sand.u32 @!p0 s15, s11;
	s14 =	simm.s32 @p1 $0x3CF9  }
0x23: {  	s14 =	ssub.s32 @!p0 s14, s15  }
0x24: {  	s14 =	sadd.s32 @!p0 $0xFFFFC307, s14  }
0x25: {  	s16 =	sshll.u32 @!p0 s11, $0x7;
	s17 =	simm.s32 @!p0 $0x0;
	s15 =	sshll.u32 @!p0 s14, $0xC  }
0x26: {  	p1 =	sgt.s32 @!p0 s14, $0xF;
	s14 =	ssub.s32 @!p0 $0x10000, s15;
	s15 =	sxor.u32 @!p0 $0xFFFFFFFF, s12  }
0x27: {  	p1 =	por !p1, p0;
	s14 =	sshrl.u32 @!p0 s14, $0x2;
	s15 =	sshll.u32 @!p0 s15, $0xE  }
0x28: {  	s16 =	sadd.s32 @!p0 s2, s16;
	s14 =	simm.s32 @!p1 $0x0;
	s15 =	sand.u32 @!p0 $0x4000, s15  }
0x29: {  	[tilespmem:s15], [sflag:$0x1] =	stream.linear.gather @!p0 [hbm4b:s16+s17], s14, $0x38;
	[tilespmem:$0x10000] =	vst v63  }
0x2a: {  	p0 =	seq.s32 s12, $0x0  }
0x2b: {  	p1 =	sge.u32 @!p0 s12, s7  }
0x2c: {  	p0 =	por p0, p1  }
.Ltmp2:
0x2d: {  	_ = 	snop;
	(pc) =	sbr.rel @p0 .LBB1_8-.Ltmp2, $1  }
0x2e: {  	_ =	sdelay $0x3  }
0x2f: {  	p0 =	sgt.s32 s10, $0x3CF9;
	s14 =	smov.u32 s10;
	s15 =	sshra.s32 s10, $0x1F  }
0x30: {  	s14 =	simm.s32 @!p0 $0x3CF9;
	s15 =	sand.u32 s15, s10  }
0x31: {  	s14 =	ssub.s32 s14, s15  }
0x32: {  	s16 =	sadd.s32 $0x10, s10;
	s14 =	sadd.s32 $0xFFFFC307, s14  }
0x33: {  	p1 =	slt.s32 s16, $0x3D09;
	s30 =	sshll.u32 s14, $0xC  }
0x34: {  	s16 =	simm.s32 @!p1 $0x3D09;
	s15 =	ssub.s32 $0x10000, s30  }
0x35: {  	p0 =	sgt.s32 s14, $0xF;
	s14 =	sshrl.u32 s15, $0x2;
	s15 =	ssub.s32 s16, s10  }
0x36: {  	s14 =	simm.s32 @p0 $0x0;
	p0 =	slt.s32 s15, $0x1  }
.Ltmp3:
0x37: {  	_ = 	snop;
	(pc) =	sbr.rel @p0 .LBB1_7-.Ltmp3, $4  }
0x38: {  	_ = 	snop  }
0x39: {  	_ =	swait.ge [sflag:s4], s14  }
0x3a: {  	s31 =	ssub.s32 $0x0, s14;
	[sflag:s4] =	ssyncset.done $0x0  }
0x3b: {  	[sflag:s4] =	ssyncadd.s32 s31  }
0x3c: {  	s16 =	sshrl.u32 s9, $0x1  }
0x3d: {  	s17 =	sand.u32 $0x4000, s16  }
0x3e: {  	s18 =	simm.s32 $0x0;
	s16 =	sor.u32 $0x200, s17;
	s17 =	sor.u32 $0x8080, s17  }
.LBB1_4:
0x3f: {  	v0 =	vld [tilespmem:s16+$0xFFFFFE70]  }
0x40: {  	v1 =	vld [tilespmem:s16+$0x70]  }
0x41: {  	v2 =	vld [tilespmem:s16+$0x0]  }
0x42: {  	v3 =	vld [tilespmem:s16+$0xFFFFFE10]  }
0x43: {  	v4 =	vld [tilespmem:s16+$0x10]  }
0x44: {  	v5 =	vld [tilespmem:s16+$0xFFFFFE20]  }
0x45: {  	v7 =	vld [tilespmem:s16+$0x20]  }
0x46: {  	v11 =	vld [tilespmem:s16+$0x30];
	v6 =	vunpack.i.l.s16.s32 v0;
	v8 =	vunpack.i.u.s16.s32 v0;
	v9 =	vunpack.i.u.s16.s32 v1  }
0x47: {  	v10 =	vunpack.i.l.s16.s32 v1;
	v0 =	vunpack.i.u.s16.s32 v2;
	v1 =	vunpack.i.l.s16.s32 v2;
	v2 =	vld [tilespmem:s16+$0xFFFFFE30]  }
0x48: {  	v8 =	vpack.i.b32.b16 v9, v8;
	v9 =	vunpack.i.u.s16.s32 v3;
	v3 =	vunpack.i.l.s16.s32 v3  }
0x49: {  	v12 =	vld [tilespmem:s16+$0xFFFFFE40];
	v6 =	vpack.i.b32.b16 v10, v6;
	[tilespmem:s17+$0x70] =	vst v8;
	v8 =	vunpack.i.u.s16.s32 v4;
	v4 =	vunpack.i.l.s16.s32 v4  }
0x4a: {  	v13 =	vld [tilespmem:s16+$0x40];
	v10 =	vunpack.i.u.s16.s32 v5;
	v5 =	vunpack.i.l.s16.s32 v5;
	[tilespmem:s17+$0xFFFFFFF0] =	vst v6;
	v3 =	vpack.i.b32.b16 v4, v3  }
0x4b: {  	v6 =	vunpack.i.l.s16.s32 v7;
	v4 =	vld [tilespmem:s16+$0xFFFFFE50];
	[tilespmem:s17+$0xFFFFFF90] =	vst v3;
	v3 =	vpack.i.b32.b16 v8, v9;
	v8 =	vunpack.i.u.s16.s32 v7  }
0x4c: {  	v7 =	vunpack.i.l.s16.s32 v11;
	[tilespmem:s17+$0x10] =	vst v3;
	v3 =	vpack.i.b32.b16 v6, v5;
	v9 =	vunpack.i.u.s16.s32 v2;
	v6 =	vld [tilespmem:s16+$0x50]  }
0x4d: {  	v5 =	vunpack.i.l.s16.s32 v2;
	v2 =	vld [tilespmem:s16+$0xFFFFFE60];
	[tilespmem:s17+$0xFFFFFFA0] =	vst v3;
	v3 =	vpack.i.b32.b16 v8, v10;
	v10 =	vunpack.i.u.s16.s32 v11  }
0x4e: {  	s21 =	simm.s32 $0x0;
	v11 =	vpack.i.b32.b16 v7, v5;
	v7 =	vunpack.i.u.s16.s32 v12;
	v8 =	vunpack.i.l.s16.s32 v12;
	[tilespmem:s17+$0x20] =	vst v3;
	v3 =	vld [tilespmem:s16+$0x60]  }
0x4f: {  	s22 =	sadd.s32 $0x80, s16;
	s20 =	smov.u32 s17;
	s19 =	smov.u32 s17;
	v5 =	vld [tilespmem:s16+$0xFFFFFE00];
	[tilespmem:s17+$0xFFFFFFB0] =	vst v11;
	v10 =	vpack.i.b32.b16 v10, v9;
	v9 =	vunpack.i.u.s16.s32 v13;
	v11 =	vunpack.i.l.s16.s32 v13  }
.LBB1_5:
0x50: {  	v12 =	vld [tilespmem:s22+$0xFFFFFE70];
	[tilespmem:s20+$0x30] =	vst v10;
	v8 =	vpack.i.b32.b16 v11, v8;
	v10 =	vunpack.i.u.s16.s32 v4;
	v4 =	vunpack.i.l.s16.s32 v4  }
0x51: {  	s21 =	sadd.s32 $0x2, s21;
	v7 =	vpack.i.b32.b16 v9, v7;
	v11 =	vld [tilespmem:s22+$0x70];
	[tilespmem:s20+$0xFFFFFFC0] =	vst v8;
	v8 =	vunpack.i.u.s16.s32 v6;
	v6 =	vunpack.i.l.s16.s32 v6  }
0x52: {  	p0 =	slt.u32 s21, $0x6;
	v9 =	vld [tilespmem:s22+$0x0];
	[tilespmem:s20+$0x40] =	vst v7;
	v4 =	vpack.i.b32.b16 v6, v4;
	v6 =	vunpack.i.u.s16.s32 v2;
	v2 =	vunpack.i.l.s16.s32 v2  }
0x53: {  	v7 =	vld [tilespmem:s22+$0xFFFFFE10];
	[tilespmem:s20+$0xFFFFFFD0] =	vst v4;
	v4 =	vpack.i.b32.b16 v8, v10;
	v8 =	vunpack.i.u.s16.s32 v3;
	v3 =	vunpack.i.l.s16.s32 v3  }
0x54: {  	v10 =	vld [tilespmem:s22+$0x10];
	v13 =	vunpack.i.u.s16.s32 v5;
	v5 =	vunpack.i.l.s16.s32 v5;
	[tilespmem:s20+$0x50] =	vst v4;
	v2 =	vpack.i.b32.b16 v3, v2  }
0x55: {  	v3 =	vld [tilespmem:s22+$0xFFFFFE20];
	v4 =	vunpack.i.l.s16.s32 v12;
	v1 =	vpack.i.b32.b16 v1, v5;
	v5 =	vpack.i.b32.b16 v0, v13;
	[tilespmem:s20+$0xFFFFFFE0] =	vst v2  }
0x56: {  	v12 =	vunpack.i.u.s16.s32 v12;
	v2 =	vld [tilespmem:s22+$0x20];
	v13 =	vunpack.i.u.s16.s32 v11;
	v11 =	vunpack.i.l.s16.s32 v11;
	[tilespmem:s20+$0xFFFFFF80] =	vst v1  }
0x57: {  	s20 =	sadd.s32 $0x100, s20;
	v0 =	vunpack.i.u.s16.s32 v9;
	v1 =	vunpack.i.l.s16.s32 v9;
	v9 =	vld [tilespmem:s22+$0xFFFFFE30];
	v12 =	vpack.i.b32.b16 v13, v12;
	[tilespmem:s19+$0x0] =	vst v5  }
0x58: {  	v6 =	vpack.i.b32.b16 v8, v6;
	v5 =	vunpack.i.u.s16.s32 v7;
	v7 =	vunpack.i.l.s16.s32 v7;
	v13 =	vld [tilespmem:s22+$0x30];
	[tilespmem:s20+$0x70] =	vst v12  }
0x59: {  	v4 =	vpack.i.b32.b16 v11, v4;
	v8 =	vunpack.i.u.s16.s32 v10;
	v10 =	vunpack.i.l.s16.s32 v10;
	v12 =	vld [tilespmem:s22+$0xFFFFFE40];
	[tilespmem:s19+$0x60] =	vst v6;
	s19 =	smov.u32 s20  }
0x5a: {  	v6 =	vpack.i.b32.b16 v10, v7;
	v7 =	vunpack.i.u.s16.s32 v3;
	v3 =	vunpack.i.l.s16.s32 v3;
	v11 =	vld [tilespmem:s22+$0x40];
	[tilespmem:s20+$0xFFFFFFF0] =	vst v4  }
.Ltmp4:
0x5b: {  	v5 =	vpack.i.b32.b16 v8, v5;
	[tilespmem:s20+$0xFFFFFF90] =	vst v6;
	v8 =	vunpack.i.u.s16.s32 v2;
	v2 =	vunpack.i.l.s16.s32 v2;
	v4 =	vld [tilespmem:s22+$0xFFFFFE50];
	(pc) =	sbr.rel @p0 .LBB1_5-.Ltmp4, $4  }
0x5c: {  	[tilespmem:s20+$0x10] =	vst v5;
	v2 =	vpack.i.b32.b16 v2, v3;
	v10 =	vunpack.i.u.s16.s32 v9;
	v3 =	vunpack.i.l.s16.s32 v9;
	v6 =	vld [tilespmem:s22+$0x50]  }
0x5d: {  	v5 =	vpack.i.b32.b16 v8, v7;
	[tilespmem:s20+$0xFFFFFFA0] =	vst v2;
	v9 =	vunpack.i.u.s16.s32 v13;
	v7 =	vunpack.i.l.s16.s32 v13;
	v2 =	vld [tilespmem:s22+$0xFFFFFE60]  }
0x5e: {  	[tilespmem:s20+$0x20] =	vst v5;
	v13 =	vpack.i.b32.b16 v7, v3;
	v7 =	vunpack.i.u.s16.s32 v12;
	v8 =	vunpack.i.l.s16.s32 v12;
	v3 =	vld [tilespmem:s22+$0x60]  }
0x5f: {  	v10 =	vpack.i.b32.b16 v9, v10;
	v5 =	vld [tilespmem:s22+$0xFFFFFE00];
	[tilespmem:s20+$0xFFFFFFB0] =	vst v13;
	v9 =	vunpack.i.u.s16.s32 v11;
	v11 =	vunpack.i.l.s16.s32 v11;
	s22 =	sadd.s32 $0x80, s22  }
0x60: {  	[tilespmem:s20+$0x30] =	vst v10;
	v8 =	vpack.i.b32.b16 v11, v8  }
0x61: {  	v51 =	vunpack.i.l.s16.s32 v4;
	v7 =	vpack.i.b32.b16 v9, v7;
	[tilespmem:s20+$0xFFFFFFC0] =	vst v8;
	v52 =	vunpack.i.l.s16.s32 v6  }
0x62: {  	v53 =	vunpack.i.u.s16.s32 v4;
	s18 =	sadd.s32 $0x1, s18;
	v54 =	vunpack.i.u.s16.s32 v6;
	[tilespmem:s20+$0x40] =	vst v7;
	v55 =	vpack.i.b32.b16 v52, v51  }
0x63: {  	p0 =	sne.s32 s18, s15;
	v56 =	vunpack.i.l.s16.s32 v2;
	v4 =	vpack.i.b32.b16 v54, v53;
	[tilespmem:s20+$0xFFFFFFD0] =	vst v55;
	v57 =	vunpack.i.l.s16.s32 v3  }
.Ltmp5:
0x64: {  	[tilespmem:s20+$0x50] =	vst v4;
	v58 =	vunpack.i.l.s16.s32 v5;
	v59 =	vpack.i.b32.b16 v57, v56;
	(pc) =	sbr.rel @p0 .LBB1_4-.Ltmp5, $4  }
.Ltmp6:
0x65: {  	v61 =	vunpack.i.u.s16.s32 v2;
	v62 =	vunpack.i.u.s16.s32 v3;
	v1 =	vpack.i.b32.b16 v1, v58;
	[tilespmem:s20+$0xFFFFFFE0] =	vst v59;
	(pc) =	sbr.rel @!p0 .LBB1_7-.Ltmp6, $4  }
0x66: {  	v60 =	vunpack.i.u.s16.s32 v5;
	v63 =	vpack.i.b32.b16 v62, v61;
	[tilespmem:s20+$0xFFFFFF80] =	vst v1  }
0x67: {  	v0 =	vpack.i.b32.b16 v0, v60;
	[tilespmem:s19+$0x60] =	vst v63  }
0x68: {  	s16 =	sadd.s32 $0x400, s16;
	s17 =	sadd.s32 $0x400, s17;
	[tilespmem:s19+$0x0] =	vst v0  }
0x69: {  	_ = 	snop  }
.LBB1_9:
0x6a: {  	_ =	sfence.sel $0x180000  }
0x6b: {  	s2 =	simm.s32 $0x1;
	[bflag:$0x0] =	sbarrier.arrive $0xFFFF  }
0x6c: {  	s31 =	simm.s32 $0x2;
	[sflag:s2] =	ssyncpa.u1 $0x1  }
0x6d: {  	[sflag:s31] =	ssyncpa.u1 $0x1  }
0x6e: {  	p0 =	sne.s32 s1, $0x0;
	_ =	strace $0x9000004A  }
0x6f: {  	s0 =	sadd.s32 @!p0 $0x100000, s0;
	[bflag:$0x2] =	sbarrier.arrive $0xFFFF  }
0x70: {  	[sflag:s0] =	ssyncadd.tile.s32 @!p0 $0x1;
	_ =	shalt  }
.Lfunc_end1:
_tile_overlayer_lowered:
.L_overlay_start_2:
0x71: {  	(tag) =	ssettag $0x2  }
0x72: {  	s0 =	rddreg [dreg:$0x0];
	s2 =	stileid.u32  }
0x73: {  	s1 =	rddreg [dreg:$0x1];
	p0 =	sne.s32 s2, $0x0  }
0x74: {  	s3 =	rddreg [dreg:$0x2];
	[bflag:$0x3] =	sbarrier.arrive $0xFFFF;
	s2 =	simm.s32 @!p0 $0x1C01  }
0x75: {  	[timem:s3], [sflag:s2] =	dma.local @!p0 [hbm:s0], s1  }
0x76: {  	s0 =	simm.s32 @!p0 $0x1  }
0x77: {  	_ =	swait.ge @!p0 [sflag:s0], s1  }
0x78: {  	s1 =	ssub.s32 @!p0 $0x0, s1;
	[sflag:s0] =	ssyncset.done @!p0 $0x0  }
0x79: {  	[sflag:s0] =	ssyncadd.s32 @!p0 s1  }
0x7a: {  	[bflag:$0x3] =	sbarrier.arrive $0xFFFF  }
0x7b: {  	_ =	shalt  }

</sc_bundles>
